<compile_context>
chip_gen: v7x
topology: tpu7x:2x2x1
jax: 0.10.2.dev20260603
libtpu: 0.0.44.dev20260713+nightly
codegen_flags: <defaults>
</compile_context>

<pallas_src>
import functools

import jax
import jax.numpy as jnp
from jax import lax
from jax.experimental import pallas as pl
from jax.experimental.pallas import tpu as pltpu
from jax.experimental.pallas import tpu_sc as plsc

S = 8
H = 256
E = S * S
NUM_REL = 2 * S * S
TC_E = 32
SC_E = E - TC_E
L = 16



def _sc_body(et_ref, w_ref, gf_ref, out_ref, idx_v, w_v, x_v, msg_v, sem):
    wid = lax.axis_index("s") * 2 + lax.axis_index("c")
    e = TC_E + wid
    src = e // S
    pltpu.sync_copy(et_ref.at[wid], idx_v)
    pltpu.async_copy(w_ref.at[idx_v.at[pl.ds(0, 1)]], w_v, sem).wait()
    pltpu.sync_copy(gf_ref.at[src], x_v)

    def hstep(h, accs):
        xb = plsc.load_gather(x_v, [jnp.full((L,), h, jnp.int32)])
        return tuple(accs[kc] + xb * w_v[0, h, pl.ds(kc * L, L)]
                     for kc in range(H // L))

    accs = lax.fori_loop(
        0, H, hstep,
        tuple(jnp.zeros((L,), jnp.float32) for _ in range(H // L)))
    for kc in range(H // L):
        msg_v[pl.ds(kc * L, L)] = accs[kc]
    pltpu.sync_copy(msg_v, out_ref.at[wid])


def _sc_msgs(et_pad, w2d, gf):
    mesh = plsc.VectorSubcoreMesh(core_axis_name="c", subcore_axis_name="s",
                                  num_cores=2, num_subcores=16)
    return pl.kernel(
        _sc_body,
        out_type=jax.ShapeDtypeStruct((SC_E, H), jnp.float32),
        mesh=mesh,
        scratch_types=[
            pltpu.VMEM((S,), jnp.int32),
            pltpu.VMEM((1, H, H), jnp.float32),
            pltpu.VMEM((H,), jnp.float32),
            pltpu.VMEM((H,), jnp.float32),
            pltpu.SemaphoreType.DMA,
        ],
        compiler_params=pltpu.CompilerParams(needs_layout_passes=False),
    )(et_pad, w2d, gf)



def _tc_body(et_ref, gf_ref, wq_ref, wk_ref, *rest):
    w_refs = rest[:TC_E]
    root_ref, rb_ref, part_ref, attn_ref = rest[TC_E:]

    gf = gf_ref[...]
    q = jnp.dot(gf, wq_ref[...], preferred_element_type=jnp.float32)
    k = jnp.dot(gf, wk_ref[...], preferred_element_type=jnp.float32)
    scores = jnp.dot(q, k.T, preferred_element_type=jnp.float32) * (1.0 / 16.0)
    scores = scores - jnp.max(scores, axis=-1, keepdims=True)
    ex = jnp.exp(scores)
    attn = ex / jnp.sum(ex, axis=-1, keepdims=True)
    attn_ref[...] = attn
    wgf = (attn[:, :, None] * gf[:, None, :]).reshape(E, H)

    msgs = [jnp.dot(wgf[e:e + 1, :], w_refs[e][0],
                    preferred_element_type=jnp.float32) for e in range(TC_E)]
    x1 = (jnp.dot(gf, root_ref[...], preferred_element_type=jnp.float32)
          + rb_ref[...])
    for b in range(TC_E // S):
        x1 = x1 + jnp.concatenate(msgs[S * b:S * (b + 1)], axis=0)
    part_ref[...] = x1


def _combine_body(part_ref, attn_ref, raw_ref, gf_ref, lrel_ref, lroot_ref,
                  gb_ref, out_ref):
    gf = gf_ref[...]
    attn_t = attn_ref[...].T
    x1 = part_ref[...]
    for b in range(SC_E // S):
        x1 = x1 + attn_t[:, 4 + b:5 + b] * raw_ref[S * b:S * (b + 1), :]
    agg = jnp.broadcast_to(jnp.sum(x1, axis=0, keepdims=True), (S, H))
    out2 = (jnp.dot(agg, lrel_ref[...], preferred_element_type=jnp.float32)
            + jnp.dot(x1, lroot_ref[...], preferred_element_type=jnp.float32)
            + gb_ref[...])
    out_ref[:, :H] = out2
    out_ref[:, H:] = gf


def kernel(global_features, speaker, Wq, Wk, Wv, rgcn_weight, rgcn_root,
           rgcn_bias, gcn_lin_rel, gcn_lin_root, gcn_bias):
    del Wv
    spk = speaker.astype(jnp.int32)
    src = jnp.repeat(jnp.arange(S, dtype=jnp.int32), S)
    dst = jnp.tile(jnp.arange(S, dtype=jnp.int32), S)
    et = (spk[src] * S + spk[dst]) * 2 + (src >= dst).astype(jnp.int32)

    et_pad = jnp.zeros((SC_E, S), jnp.int32).at[:, 0].set(et[TC_E:])
    raw = _sc_msgs(et_pad, rgcn_weight, global_features)

    full = lambda shape: pl.BlockSpec(shape, lambda i, et_ref: (0,) * len(shape))
    w_specs = [pl.BlockSpec((1, H, H),
                            lambda i, et_ref, e=e: (et_ref[e], 0, 0))
               for e in range(TC_E)]
    grid_spec = pltpu.PrefetchScalarGridSpec(
        num_scalar_prefetch=1,
        grid=(1,),
        in_specs=[
            full((S, H)),
            full((H, H)),
            full((H, H)),
            *w_specs,
            full((H, H)),
            full((1, H)),
        ],
        out_specs=(pl.BlockSpec((S, H), lambda i, et_ref: (0, 0)),
                   pl.BlockSpec((S, S), lambda i, et_ref: (0, 0))),
    )
    part, attn = pl.pallas_call(
        _tc_body,
        grid_spec=grid_spec,
        out_shape=(jax.ShapeDtypeStruct((S, H), jnp.float32),
                   jax.ShapeDtypeStruct((S, S), jnp.float32)),
    )(et, global_features, Wq, Wk, *([rgcn_weight] * TC_E),
      rgcn_root, rgcn_bias.reshape(1, H))

    return pl.pallas_call(
        _combine_body,
        out_shape=jax.ShapeDtypeStruct((S, 2 * H), jnp.float32),
    )(part, attn, raw, global_features, gcn_lin_rel, gcn_lin_root,
      gcn_bias.reshape(1, H))

# --- scband reference (transcript-rebuilt; emitter-appended) ---
"""Pipeline reference for scband-dialogue-gcn-34282428957140 (READ-ONLY COPY).

The authoritative reference and input builder live on the scoring server;
editing this copy changes nothing except your own understanding.
"""

import jax, jax.numpy as jnp
import numpy as np

HIDDEN = 256
SPEAKERS = 8
NUM_REL = 2 * SPEAKERS ** 2


def _edges_and_types(speaker):
    # edges: all (i, j) speaker-index pairs, shape [2, S*S]
    S = SPEAKERS
    src = np.repeat(np.arange(S), S)
    dst = np.tile(np.arange(S), S)
    edges = jnp.asarray(np.stack([src, dst], axis=0).astype(np.int64))
    # edge_type_to_id: types ordered as f'{i}{j}0', f'{i}{j}1' for i,j in range(S)
    # id of f'{a}{b}{d}' = (a*S + b)*2 + d
    src_j = jnp.asarray(src)
    dst_j = jnp.asarray(dst)
    direction = (src_j >= dst_j).astype(speaker.dtype)
    edge_type = (speaker[src_j] * S + speaker[dst_j]) * 2 + direction
    return edges, edge_type


def setup_inputs(seed: int = 0) -> dict:
    key = jax.random.key(seed)
    ks = jax.random.split(key, 12)
    global_features = jax.random.normal(ks[0], (SPEAKERS, HIDDEN), dtype=jnp.float32)
    speaker = jnp.arange(SPEAKERS, dtype=jnp.int64)
    scale = 1.0 / np.sqrt(HIDDEN)
    # MultiHeadAttention (1 head): q/k/v projections + output proj (output unused; weights only)
    Wq = jax.random.normal(ks[1], (HIDDEN, HIDDEN), dtype=jnp.float32) * scale
    Wk = jax.random.normal(ks[2], (HIDDEN, HIDDEN), dtype=jnp.float32) * scale
    Wv = jax.random.normal(ks[3], (HIDDEN, HIDDEN), dtype=jnp.float32) * scale
    # RGCN
    rgcn_weight = jax.random.normal(ks[4], (NUM_REL, HIDDEN, HIDDEN), dtype=jnp.float32) * scale
    rgcn_root = jax.random.normal(ks[5], (HIDDEN, HIDDEN), dtype=jnp.float32) * scale
    rgcn_bias = jnp.zeros((HIDDEN,), dtype=jnp.float32)
    # GraphConv: out = W1 @ aggregated_neighbors + W2 @ x + b
    gcn_lin_rel = jax.random.normal(ks[6], (HIDDEN, HIDDEN), dtype=jnp.float32) * scale
    gcn_lin_root = jax.random.normal(ks[7], (HIDDEN, HIDDEN), dtype=jnp.float32) * scale
    gcn_bias = jnp.zeros((HIDDEN,), dtype=jnp.float32)
    return {
        'global_features': global_features,
        'speaker': speaker,
        'Wq': Wq, 'Wk': Wk, 'Wv': Wv,
        'rgcn_weight': rgcn_weight, 'rgcn_root': rgcn_root, 'rgcn_bias': rgcn_bias,
        'gcn_lin_rel': gcn_lin_rel, 'gcn_lin_root': gcn_lin_root, 'gcn_bias': gcn_bias,
    }


def _attention_weights(gf, Wq, Wk):
    # keys = stack of global_features repeated len(speaker) times: [S, S, H]
    # attention over key axis per query row
    q = gf @ Wq                      # [S, H]
    keys = jnp.broadcast_to(gf, (SPEAKERS, SPEAKERS, HIDDEN))
    k = keys @ Wk                    # [S, S, H]
    scores = jnp.einsum('sh,sth->st', q, k) / jnp.sqrt(jnp.asarray(HIDDEN, jnp.float32))
    attn = jax.nn.softmax(scores, axis=-1)   # [S, S]
    return attn


def _rgcn(x, edges, edge_type, edge_weight, weight, root, bias):
    N = x.shape[0]
    src, dst = edges[0], edges[1]
    out = jnp.zeros((N, HIDDEN), dtype=jnp.float32)
    for i in range(NUM_REL):
        mask = (edge_type == i).astype(jnp.float32)
        ew = edge_weight * mask                       # zero out edges not of this relation
        msgs = ew[:, None] * x[src]                   # [E, H]
        h = jnp.zeros((N, HIDDEN), dtype=jnp.float32).at[dst].add(msgs)
        out = out + h @ weight[i]
    out = out + x @ root + bias
    return out


def _graphconv(x, edges, lin_rel, lin_root, bias):
    N = x.shape[0]
    src, dst = edges[0], edges[1]
    agg = jnp.zeros((N, HIDDEN), dtype=jnp.float32).at[dst].add(x[src])
    return agg @ lin_rel + x @ lin_root + bias


def reference(global_features, speaker, Wq, Wk, Wv, rgcn_weight, rgcn_root, rgcn_bias, gcn_lin_rel, gcn_lin_root, gcn_bias):
    edges, edge_type = _edges_and_types(speaker)
    attn = _attention_weights(global_features, Wq, Wk)
    edge_weight = attn.reshape(-1)  # [S*S]
    x = _rgcn(global_features, edges, edge_type, edge_weight, rgcn_weight, rgcn_root, rgcn_bias)
    x = _graphconv(x, edges, gcn_lin_rel, gcn_lin_root, gcn_bias)
    return jnp.concatenate([x, global_features], axis=-1)

if __name__ == "__main__":
    import jax
    _d = setup_inputs()
    print(jax.jit(kernel)(*tuple(_d.values())))

</pallas_src>

<mosaic_0001>
#map = affine_map<(d0, d1) -> (0, 0)>
#map1 = affine_map<(d0, d1) -> (0, 0, 0)>
module attributes {stable_mosaic.version = 14 : i64} {
  func.func @_sc_body(%arg0: i32, %arg1: i32, %arg2: memref<32x8xi32, #tpu.memory_space<hbm>>, %arg3: memref<128x256x256xf32, #tpu.memory_space<hbm>>, %arg4: memref<8x256xf32, #tpu.memory_space<hbm>>, %arg5: memref<32x256xf32, #tpu.memory_space<hbm>>, %arg6: memref<8xi32, #tpu.memory_space<vmem>>, %arg7: memref<1x256x256xf32, #tpu.memory_space<vmem>>, %arg8: memref<256xf32, #tpu.memory_space<vmem>>, %arg9: memref<256xf32, #tpu.memory_space<vmem>>, %arg10: memref<!tpu.dma_semaphore, #tpu.memory_space<semaphore_mem>>) attributes {dimension_semantics = [#tpu.dimension_semantics<core_parallel>, #tpu.dimension_semantics<subcore_parallel>], iteration_bounds = array<i64: 2, 16>, scalar_prefetch = 0 : i64, scratch_operands = 5 : i64, tpu.core_type = #tpu.core_type<sc_vector_subcore>, window_params = [{transform_indices = #map}, {transform_indices = #map1}, {transform_indices = #map}, {transform_indices = #map}]} {
    %mul3A = arith.constant 2 : i32
    %mul3A_0 = arith.muli %arg1, %mul3A : i32
    %add3A = arith.addi %mul3A_0, %arg0 : i32
    %add3A_1 = arith.constant 32 : i32
    %add3A_2 = arith.addi %add3A_1, %add3A : i32
    %jit3A = arith.constant 8 : i32
    %div3A = arith.divsi %add3A_2, %jit3A : i32
    %sign3A = arith.constant 0 : i32
    %sign3A_3 = arith.cmpi sgt, %add3A_2, %sign3A : i32
    %sign3A_4 = arith.extui %sign3A_3 : i1 to i32
    %sign3A_5 = arith.constant 0 : i32
    %sign3A_6 = arith.cmpi slt, %add3A_2, %sign3A_5 : i32
    %sign3A_7 = arith.extui %sign3A_6 : i1 to i32
    %sign3A_8 = arith.subi %sign3A_4, %sign3A_7 : i32
    %sign3A_9 = arith.constant 0 : i32
    %sign3A_10 = arith.cmpi sgt, %jit3A, %sign3A_9 : i32
    %sign3A_11 = arith.extui %sign3A_10 : i1 to i32
    %sign3A_12 = arith.constant 0 : i32
    %sign3A_13 = arith.cmpi slt, %jit3A, %sign3A_12 : i32
    %sign3A_14 = arith.extui %sign3A_13 : i1 to i32
    %sign3A_15 = arith.subi %sign3A_11, %sign3A_14 : i32
    %ne3A = arith.cmpi ne, %sign3A_8, %sign3A_15 : i32
    %rem3A = arith.remsi %add3A_2, %jit3A : i32
    %ne3A_16 = arith.constant 0 : i32
    %ne3A_17 = arith.cmpi ne, %rem3A, %ne3A_16 : i32
    %and3A = arith.andi %ne3A, %ne3A_17 : i1
    %sub3A = arith.constant 1 : i32
    %sub3A_18 = arith.subi %div3A, %sub3A : i32
    %select_n3A = arith.select %and3A, %sub3A_18, %div3A : i32
    "tpu.region"() ({
      %run_scoped3A = tpu.sem_alloc : memref<!tpu.dma_semaphore, #tpu.memory_space<semaphore_mem>>
      %dma_start3A_96 = arith.constant 0 : i32
      %dma_start3A_97 = tpu.memref_slice %arg2[%add3A, %dma_start3A_96] : memref<32x8xi32, #tpu.memory_space<hbm>> -> memref<1x8xi32, #tpu.memory_space<hbm>>
      %dma_start3A_98 = tpu.memref_squeeze %dma_start3A_97 : memref<1x8xi32, #tpu.memory_space<hbm>> -> memref<8xi32, #tpu.memory_space<hbm>>
      %dma_start3A_99 = arith.constant 0 : i32
      %dma_start3A_100 = tpu.memref_slice %arg2[%add3A, %dma_start3A_99] : memref<32x8xi32, #tpu.memory_space<hbm>> -> memref<1x8xi32, #tpu.memory_space<hbm>>
      %dma_start3A_101 = tpu.memref_squeeze %dma_start3A_100 : memref<1x8xi32, #tpu.memory_space<hbm>> -> memref<8xi32, #tpu.memory_space<hbm>>
      tpu.enqueue_dma source(%dma_start3A_101 : memref<8xi32, #tpu.memory_space<hbm>>) target(%arg6 : memref<8xi32, #tpu.memory_space<vmem>>) target_semaphore(%run_scoped3A : memref<!tpu.dma_semaphore, #tpu.memory_space<semaphore_mem>>)
      %dma_wait3A_102 = arith.constant 0 : i32
      %dma_wait3A_103 = tpu.memref_slice %arg2[%add3A, %dma_wait3A_102] : memref<32x8xi32, #tpu.memory_space<hbm>> -> memref<1x8xi32, #tpu.memory_space<hbm>>
      %dma_wait3A_104 = tpu.memref_squeeze %dma_wait3A_103 : memref<1x8xi32, #tpu.memory_space<hbm>> -> memref<8xi32, #tpu.memory_space<hbm>>
      %dma_wait3A_105 = arith.constant 0 : i32
      %dma_wait3A_106 = tpu.memref_slice %arg2[%add3A, %dma_wait3A_105] : memref<32x8xi32, #tpu.memory_space<hbm>> -> memref<1x8xi32, #tpu.memory_space<hbm>>
      %dma_wait3A_107 = tpu.memref_squeeze %dma_wait3A_106 : memref<1x8xi32, #tpu.memory_space<hbm>> -> memref<8xi32, #tpu.memory_space<hbm>>
      tpu.wait_dma2 semaphore(%run_scoped3A : memref<!tpu.dma_semaphore, #tpu.memory_space<semaphore_mem>>) src(%dma_wait3A_107 : memref<8xi32, #tpu.memory_space<hbm>>) dst(%arg6 : memref<8xi32, #tpu.memory_space<vmem>>)
      tpu.yield
    }) : () -> ()
    %dma_start3A = arith.constant 0 : i32
    %dma_start3A_19 = tpu.memref_slice %arg6[%dma_start3A] : memref<8xi32, #tpu.memory_space<vmem>> -> memref<1xi32, #tpu.memory_space<vmem>>
    %dma_start3A_20 = arith.constant 0 : i32
    %dma_start3A_21 = arith.constant 0 : i32
    %dma_start3A_22 = arith.constant 0 : i32
    %dma_start3A_23 = tpu.memref_slice %arg3[%dma_start3A_20, %dma_start3A_21, %dma_start3A_22] : memref<128x256x256xf32, #tpu.memory_space<hbm>> -> memref<128x256x256xf32, #tpu.memory_space<hbm>>
    tpu.enqueue_indirect_dma source(%dma_start3A_23 : memref<128x256x256xf32, #tpu.memory_space<hbm>>) target(%arg7 : memref<1x256x256xf32, #tpu.memory_space<vmem>>) offsets(%dma_start3A_19 : memref<1xi32, #tpu.memory_space<vmem>>) semaphore(%arg10 : memref<!tpu.dma_semaphore, #tpu.memory_space<semaphore_mem>>)
    %dma_wait3A = arith.constant 0 : i32
    %dma_wait3A_24 = tpu.memref_slice %arg6[%dma_wait3A] : memref<8xi32, #tpu.memory_space<vmem>> -> memref<1xi32, #tpu.memory_space<vmem>>
    %dma_wait3A_25 = arith.constant 0 : i32
    %dma_wait3A_26 = arith.constant 0 : i32
    %dma_wait3A_27 = arith.constant 0 : i32
    %dma_wait3A_28 = tpu.memref_slice %arg3[%dma_wait3A_25, %dma_wait3A_26, %dma_wait3A_27] : memref<128x256x256xf32, #tpu.memory_space<hbm>> -> memref<128x256x256xf32, #tpu.memory_space<hbm>>
    tpu.wait_indirect_dma semaphore(%arg10 : memref<!tpu.dma_semaphore, #tpu.memory_space<semaphore_mem>>) src(%dma_wait3A_28 : memref<128x256x256xf32, #tpu.memory_space<hbm>>) dst(%arg7 : memref<1x256x256xf32, #tpu.memory_space<vmem>>)
    "tpu.region"() ({
      %run_scoped3A = tpu.sem_alloc : memref<!tpu.dma_semaphore, #tpu.memory_space<semaphore_mem>>
      %dma_start3A_96 = arith.constant 0 : i32
      %dma_start3A_97 = tpu.memref_slice %arg4[%select_n3A, %dma_start3A_96] : memref<8x256xf32, #tpu.memory_space<hbm>> -> memref<1x256xf32, #tpu.memory_space<hbm>>
      %dma_start3A_98 = tpu.memref_squeeze %dma_start3A_97 : memref<1x256xf32, #tpu.memory_space<hbm>> -> memref<256xf32, #tpu.memory_space<hbm>>
      %dma_start3A_99 = arith.constant 0 : i32
      %dma_start3A_100 = tpu.memref_slice %arg4[%select_n3A, %dma_start3A_99] : memref<8x256xf32, #tpu.memory_space<hbm>> -> memref<1x256xf32, #tpu.memory_space<hbm>>
      %dma_start3A_101 = tpu.memref_squeeze %dma_start3A_100 : memref<1x256xf32, #tpu.memory_space<hbm>> -> memref<256xf32, #tpu.memory_space<hbm>>
      tpu.enqueue_dma source(%dma_start3A_101 : memref<256xf32, #tpu.memory_space<hbm>>) target(%arg8 : memref<256xf32, #tpu.memory_space<vmem>>) target_semaphore(%run_scoped3A : memref<!tpu.dma_semaphore, #tpu.memory_space<semaphore_mem>>)
      %dma_wait3A_102 = arith.constant 0 : i32
      %dma_wait3A_103 = tpu.memref_slice %arg4[%select_n3A, %dma_wait3A_102] : memref<8x256xf32, #tpu.memory_space<hbm>> -> memref<1x256xf32, #tpu.memory_space<hbm>>
      %dma_wait3A_104 = tpu.memref_squeeze %dma_wait3A_103 : memref<1x256xf32, #tpu.memory_space<hbm>> -> memref<256xf32, #tpu.memory_space<hbm>>
      %dma_wait3A_105 = arith.constant 0 : i32
      %dma_wait3A_106 = tpu.memref_slice %arg4[%select_n3A, %dma_wait3A_105] : memref<8x256xf32, #tpu.memory_space<hbm>> -> memref<1x256xf32, #tpu.memory_space<hbm>>
      %dma_wait3A_107 = tpu.memref_squeeze %dma_wait3A_106 : memref<1x256xf32, #tpu.memory_space<hbm>> -> memref<256xf32, #tpu.memory_space<hbm>>
      tpu.wait_dma2 semaphore(%run_scoped3A : memref<!tpu.dma_semaphore, #tpu.memory_space<semaphore_mem>>) src(%dma_wait3A_107 : memref<256xf32, #tpu.memory_space<hbm>>) dst(%arg8 : memref<256xf32, #tpu.memory_space<vmem>>)
      tpu.yield
    }) : () -> ()
    %broadcast_in_dim3A = arith.constant 0.000000e+00 : f32
    %broadcast_in_dim3A_29 = vector.broadcast %broadcast_in_dim3A : f32 to vector<16xf32>
    %broadcast_in_dim3A_30 = arith.constant 0.000000e+00 : f32
    %broadcast_in_dim3A_31 = vector.broadcast %broadcast_in_dim3A_30 : f32 to vector<16xf32>
    %broadcast_in_dim3A_32 = arith.constant 0.000000e+00 : f32
    %broadcast_in_dim3A_33 = vector.broadcast %broadcast_in_dim3A_32 : f32 to vector<16xf32>
    %broadcast_in_dim3A_34 = arith.constant 0.000000e+00 : f32
    %broadcast_in_dim3A_35 = vector.broadcast %broadcast_in_dim3A_34 : f32 to vector<16xf32>
    %broadcast_in_dim3A_36 = arith.constant 0.000000e+00 : f32
    %broadcast_in_dim3A_37 = vector.broadcast %broadcast_in_dim3A_36 : f32 to vector<16xf32>
    %broadcast_in_dim3A_38 = arith.constant 0.000000e+00 : f32
    %broadcast_in_dim3A_39 = vector.broadcast %broadcast_in_dim3A_38 : f32 to vector<16xf32>
    %broadcast_in_dim3A_40 = arith.constant 0.000000e+00 : f32
    %broadcast_in_dim3A_41 = vector.broadcast %broadcast_in_dim3A_40 : f32 to vector<16xf32>
    %broadcast_in_dim3A_42 = arith.constant 0.000000e+00 : f32
    %broadcast_in_dim3A_43 = vector.broadcast %broadcast_in_dim3A_42 : f32 to vector<16xf32>
    %broadcast_in_dim3A_44 = arith.constant 0.000000e+00 : f32
    %broadcast_in_dim3A_45 = vector.broadcast %broadcast_in_dim3A_44 : f32 to vector<16xf32>
    %broadcast_in_dim3A_46 = arith.constant 0.000000e+00 : f32
    %broadcast_in_dim3A_47 = vector.broadcast %broadcast_in_dim3A_46 : f32 to vector<16xf32>
    %broadcast_in_dim3A_48 = arith.constant 0.000000e+00 : f32
    %broadcast_in_dim3A_49 = vector.broadcast %broadcast_in_dim3A_48 : f32 to vector<16xf32>
    %broadcast_in_dim3A_50 = arith.constant 0.000000e+00 : f32
    %broadcast_in_dim3A_51 = vector.broadcast %broadcast_in_dim3A_50 : f32 to vector<16xf32>
    %broadcast_in_dim3A_52 = arith.constant 0.000000e+00 : f32
    %broadcast_in_dim3A_53 = vector.broadcast %broadcast_in_dim3A_52 : f32 to vector<16xf32>
    %broadcast_in_dim3A_54 = arith.constant 0.000000e+00 : f32
    %broadcast_in_dim3A_55 = vector.broadcast %broadcast_in_dim3A_54 : f32 to vector<16xf32>
    %broadcast_in_dim3A_56 = arith.constant 0.000000e+00 : f32
    %broadcast_in_dim3A_57 = vector.broadcast %broadcast_in_dim3A_56 : f32 to vector<16xf32>
    %broadcast_in_dim3A_58 = arith.constant 0.000000e+00 : f32
    %broadcast_in_dim3A_59 = vector.broadcast %broadcast_in_dim3A_58 : f32 to vector<16xf32>
    %scan3A = arith.constant 0 : i32
    %scan3A_60 = arith.constant 256 : i32
    %scan3A_61 = arith.addi %scan3A, %scan3A_60 : i32
    %scan3A_62 = arith.constant 1 : i32
    %scan3A_63:16 = scf.for %scan3A_96 = %scan3A to %scan3A_61 step %scan3A_62 iter_args(%scan3A_97 = %broadcast_in_dim3A_29, %scan3A_98 = %broadcast_in_dim3A_31, %scan3A_99 = %broadcast_in_dim3A_33, %scan3A_100 = %broadcast_in_dim3A_35, %scan3A_101 = %broadcast_in_dim3A_37, %scan3A_102 = %broadcast_in_dim3A_39, %scan3A_103 = %broadcast_in_dim3A_41, %scan3A_104 = %broadcast_in_dim3A_43, %scan3A_105 = %broadcast_in_dim3A_45, %scan3A_106 = %broadcast_in_dim3A_47, %scan3A_107 = %broadcast_in_dim3A_49, %scan3A_108 = %broadcast_in_dim3A_51, %scan3A_109 = %broadcast_in_dim3A_53, %scan3A_110 = %broadcast_in_dim3A_55, %scan3A_111 = %broadcast_in_dim3A_57, %scan3A_112 = %broadcast_in_dim3A_59) -> (vector<16xf32>, vector<16xf32>, vector<16xf32>, vector<16xf32>, vector<16xf32>, vector<16xf32>, vector<16xf32>, vector<16xf32>, vector<16xf32>, vector<16xf32>, vector<16xf32>, vector<16xf32>, vector<16xf32>, vector<16xf32>, vector<16xf32>, vector<16xf32>)  : i32 {
      %broadcast_in_dim3A_113 = vector.broadcast %scan3A_96 : i32 to vector<16xi32>
      %gather3A = tpu.vector_load_idx %arg8[%broadcast_in_dim3A_113] : memref<256xf32, #tpu.memory_space<vmem>>[vector<16xi32>], vector<16xf32>,
      %get3A = arith.constant 0 : i32
      %get3A_114 = arith.index_cast %get3A : i32 to index
      %get3A_115 = arith.index_cast %scan3A_96 : i32 to index
      %get3A_116 = arith.constant 0 : index
      %get3A_117 = tpu.vector_load %arg7[%get3A_114, %get3A_115, %get3A_116] {strides = array<i32>} : memref<1x256x256xf32, #tpu.memory_space<vmem>>, vector<16xf32>,
      %mul3A_118 = arith.mulf %gather3A, %get3A_117 : vector<16xf32>
      %add3A_119 = arith.addf %scan3A_97, %mul3A_118 : vector<16xf32>
      %get3A_120 = arith.constant 0 : i32
      %get3A_121 = arith.index_cast %get3A_120 : i32 to index
      %get3A_122 = arith.index_cast %scan3A_96 : i32 to index
      %get3A_123 = arith.constant 16 : index
      %get3A_124 = tpu.vector_load %arg7[%get3A_121, %get3A_122, %get3A_123] {strides = array<i32>} : memref<1x256x256xf32, #tpu.memory_space<vmem>>, vector<16xf32>,
      %mul3A_125 = arith.mulf %gather3A, %get3A_124 : vector<16xf32>
      %add3A_126 = arith.addf %scan3A_98, %mul3A_125 : vector<16xf32>
      %get3A_127 = arith.constant 0 : i32
      %get3A_128 = arith.index_cast %get3A_127 : i32 to index
      %get3A_129 = arith.index_cast %scan3A_96 : i32 to index
      %get3A_130 = arith.constant 32 : index
      %get3A_131 = tpu.vector_load %arg7[%get3A_128, %get3A_129, %get3A_130] {strides = array<i32>} : memref<1x256x256xf32, #tpu.memory_space<vmem>>, vector<16xf32>,
      %mul3A_132 = arith.mulf %gather3A, %get3A_131 : vector<16xf32>
      %add3A_133 = arith.addf %scan3A_99, %mul3A_132 : vector<16xf32>
      %get3A_134 = arith.constant 0 : i32
      %get3A_135 = arith.index_cast %get3A_134 : i32 to index
      %get3A_136 = arith.index_cast %scan3A_96 : i32 to index
      %get3A_137 = arith.constant 48 : index
      %get3A_138 = tpu.vector_load %arg7[%get3A_135, %get3A_136, %get3A_137] {strides = array<i32>} : memref<1x256x256xf32, #tpu.memory_space<vmem>>, vector<16xf32>,
      %mul3A_139 = arith.mulf %gather3A, %get3A_138 : vector<16xf32>
      %add3A_140 = arith.addf %scan3A_100, %mul3A_139 : vector<16xf32>
      %get3A_141 = arith.constant 0 : i32
      %get3A_142 = arith.index_cast %get3A_141 : i32 to index
      %get3A_143 = arith.index_cast %scan3A_96 : i32 to index
      %get3A_144 = arith.constant 64 : index
      %get3A_145 = tpu.vector_load %arg7[%get3A_142, %get3A_143, %get3A_144] {strides = array<i32>} : memref<1x256x256xf32, #tpu.memory_space<vmem>>, vector<16xf32>,
      %mul3A_146 = arith.mulf %gather3A, %get3A_145 : vector<16xf32>
      %add3A_147 = arith.addf %scan3A_101, %mul3A_146 : vector<16xf32>
      %get3A_148 = arith.constant 0 : i32
      %get3A_149 = arith.index_cast %get3A_148 : i32 to index
      %get3A_150 = arith.index_cast %scan3A_96 : i32 to index
      %get3A_151 = arith.constant 80 : index
      %get3A_152 = tpu.vector_load %arg7[%get3A_149, %get3A_150, %get3A_151] {strides = array<i32>} : memref<1x256x256xf32, #tpu.memory_space<vmem>>, vector<16xf32>,
      %mul3A_153 = arith.mulf %gather3A, %get3A_152 : vector<16xf32>
      %add3A_154 = arith.addf %scan3A_102, %mul3A_153 : vector<16xf32>
      %get3A_155 = arith.constant 0 : i32
      %get3A_156 = arith.index_cast %get3A_155 : i32 to index
      %get3A_157 = arith.index_cast %scan3A_96 : i32 to index
      %get3A_158 = arith.constant 96 : index
      %get3A_159 = tpu.vector_load %arg7[%get3A_156, %get3A_157, %get3A_158] {strides = array<i32>} : memref<1x256x256xf32, #tpu.memory_space<vmem>>, vector<16xf32>,
      %mul3A_160 = arith.mulf %gather3A, %get3A_159 : vector<16xf32>
      %add3A_161 = arith.addf %scan3A_103, %mul3A_160 : vector<16xf32>
      %get3A_162 = arith.constant 0 : i32
      %get3A_163 = arith.index_cast %get3A_162 : i32 to index
      %get3A_164 = arith.index_cast %scan3A_96 : i32 to index
      %get3A_165 = arith.constant 112 : index
      %get3A_166 = tpu.vector_load %arg7[%get3A_163, %get3A_164, %get3A_165] {strides = array<i32>} : memref<1x256x256xf32, #tpu.memory_space<vmem>>, vector<16xf32>,
      %mul3A_167 = arith.mulf %gather3A, %get3A_166 : vector<16xf32>
      %add3A_168 = arith.addf %scan3A_104, %mul3A_167 : vector<16xf32>
      %get3A_169 = arith.constant 0 : i32
      %get3A_170 = arith.index_cast %get3A_169 : i32 to index
      %get3A_171 = arith.index_cast %scan3A_96 : i32 to index
      %get3A_172 = arith.constant 128 : index
      %get3A_173 = tpu.vector_load %arg7[%get3A_170, %get3A_171, %get3A_172] {strides = array<i32>} : memref<1x256x256xf32, #tpu.memory_space<vmem>>, vector<16xf32>,
      %mul3A_174 = arith.mulf %gather3A, %get3A_173 : vector<16xf32>
      %add3A_175 = arith.addf %scan3A_105, %mul3A_174 : vector<16xf32>
      %get3A_176 = arith.constant 0 : i32
      %get3A_177 = arith.index_cast %get3A_176 : i32 to index
      %get3A_178 = arith.index_cast %scan3A_96 : i32 to index
      %get3A_179 = arith.constant 144 : index
      %get3A_180 = tpu.vector_load %arg7[%get3A_177, %get3A_178, %get3A_179] {strides = array<i32>} : memref<1x256x256xf32, #tpu.memory_space<vmem>>, vector<16xf32>,
      %mul3A_181 = arith.mulf %gather3A, %get3A_180 : vector<16xf32>
      %add3A_182 = arith.addf %scan3A_106, %mul3A_181 : vector<16xf32>
      %get3A_183 = arith.constant 0 : i32
      %get3A_184 = arith.index_cast %get3A_183 : i32 to index
      %get3A_185 = arith.index_cast %scan3A_96 : i32 to index
      %get3A_186 = arith.constant 160 : index
      %get3A_187 = tpu.vector_load %arg7[%get3A_184, %get3A_185, %get3A_186] {strides = array<i32>} : memref<1x256x256xf32, #tpu.memory_space<vmem>>, vector<16xf32>,
      %mul3A_188 = arith.mulf %gather3A, %get3A_187 : vector<16xf32>
      %add3A_189 = arith.addf %scan3A_107, %mul3A_188 : vector<16xf32>
      %get3A_190 = arith.constant 0 : i32
      %get3A_191 = arith.index_cast %get3A_190 : i32 to index
      %get3A_192 = arith.index_cast %scan3A_96 : i32 to index
      %get3A_193 = arith.constant 176 : index
      %get3A_194 = tpu.vector_load %arg7[%get3A_191, %get3A_192, %get3A_193] {strides = array<i32>} : memref<1x256x256xf32, #tpu.memory_space<vmem>>, vector<16xf32>,
      %mul3A_195 = arith.mulf %gather3A, %get3A_194 : vector<16xf32>
      %add3A_196 = arith.addf %scan3A_108, %mul3A_195 : vector<16xf32>
      %get3A_197 = arith.constant 0 : i32
      %get3A_198 = arith.index_cast %get3A_197 : i32 to index
      %get3A_199 = arith.index_cast %scan3A_96 : i32 to index
      %get3A_200 = arith.constant 192 : index
      %get3A_201 = tpu.vector_load %arg7[%get3A_198, %get3A_199, %get3A_200] {strides = array<i32>} : memref<1x256x256xf32, #tpu.memory_space<vmem>>, vector<16xf32>,
      %mul3A_202 = arith.mulf %gather3A, %get3A_201 : vector<16xf32>
      %add3A_203 = arith.addf %scan3A_109, %mul3A_202 : vector<16xf32>
      %get3A_204 = arith.constant 0 : i32
      %get3A_205 = arith.index_cast %get3A_204 : i32 to index
      %get3A_206 = arith.index_cast %scan3A_96 : i32 to index
      %get3A_207 = arith.constant 208 : index
      %get3A_208 = tpu.vector_load %arg7[%get3A_205, %get3A_206, %get3A_207] {strides = array<i32>} : memref<1x256x256xf32, #tpu.memory_space<vmem>>, vector<16xf32>,
      %mul3A_209 = arith.mulf %gather3A, %get3A_208 : vector<16xf32>
      %add3A_210 = arith.addf %scan3A_110, %mul3A_209 : vector<16xf32>
      %get3A_211 = arith.constant 0 : i32
      %get3A_212 = arith.index_cast %get3A_211 : i32 to index
      %get3A_213 = arith.index_cast %scan3A_96 : i32 to index
      %get3A_214 = arith.constant 224 : index
      %get3A_215 = tpu.vector_load %arg7[%get3A_212, %get3A_213, %get3A_214] {strides = array<i32>} : memref<1x256x256xf32, #tpu.memory_space<vmem>>, vector<16xf32>,
      %mul3A_216 = arith.mulf %gather3A, %get3A_215 : vector<16xf32>
      %add3A_217 = arith.addf %scan3A_111, %mul3A_216 : vector<16xf32>
      %get3A_218 = arith.constant 0 : i32
      %get3A_219 = arith.index_cast %get3A_218 : i32 to index
      %get3A_220 = arith.index_cast %scan3A_96 : i32 to index
      %get3A_221 = arith.constant 240 : index
      %get3A_222 = tpu.vector_load %arg7[%get3A_219, %get3A_220, %get3A_221] {strides = array<i32>} : memref<1x256x256xf32, #tpu.memory_space<vmem>>, vector<16xf32>,
      %mul3A_223 = arith.mulf %gather3A, %get3A_222 : vector<16xf32>
      %add3A_224 = arith.addf %scan3A_112, %mul3A_223 : vector<16xf32>
      scf.yield %add3A_119, %add3A_126, %add3A_133, %add3A_140, %add3A_147, %add3A_154, %add3A_161, %add3A_168, %add3A_175, %add3A_182, %add3A_189, %add3A_196, %add3A_203, %add3A_210, %add3A_217, %add3A_224 : vector<16xf32>, vector<16xf32>, vector<16xf32>, vector<16xf32>, vector<16xf32>, vector<16xf32>, vector<16xf32>, vector<16xf32>, vector<16xf32>, vector<16xf32>, vector<16xf32>, vector<16xf32>, vector<16xf32>, vector<16xf32>, vector<16xf32>, vector<16xf32>
    }
    %scan3A_64 = arith.constant 256 : i32
    %swap3A = arith.constant 0 : index
    %swap3A_65 = tpu.vector_load %arg9[%swap3A] {strides = array<i32>} : memref<256xf32, #tpu.memory_space<vmem>>, vector<16xf32>,
    tpu.vector_store %arg9[%swap3A], %scan3A_63#0 {strides = array<i32>} : memref<256xf32, #tpu.memory_space<vmem>>, vector<16xf32>,
    %swap3A_66 = arith.constant 16 : index
    %swap3A_67 = tpu.vector_load %arg9[%swap3A_66] {strides = array<i32>} : memref<256xf32, #tpu.memory_space<vmem>>, vector<16xf32>,
    tpu.vector_store %arg9[%swap3A_66], %scan3A_63#1 {strides = array<i32>} : memref<256xf32, #tpu.memory_space<vmem>>, vector<16xf32>,
    %swap3A_68 = arith.constant 32 : index
    %swap3A_69 = tpu.vector_load %arg9[%swap3A_68] {strides = array<i32>} : memref<256xf32, #tpu.memory_space<vmem>>, vector<16xf32>,
    tpu.vector_store %arg9[%swap3A_68], %scan3A_63#2 {strides = array<i32>} : memref<256xf32, #tpu.memory_space<vmem>>, vector<16xf32>,
    %swap3A_70 = arith.constant 48 : index
    %swap3A_71 = tpu.vector_load %arg9[%swap3A_70] {strides = array<i32>} : memref<256xf32, #tpu.memory_space<vmem>>, vector<16xf32>,
    tpu.vector_store %arg9[%swap3A_70], %scan3A_63#3 {strides = array<i32>} : memref<256xf32, #tpu.memory_space<vmem>>, vector<16xf32>,
    %swap3A_72 = arith.constant 64 : index
    %swap3A_73 = tpu.vector_load %arg9[%swap3A_72] {strides = array<i32>} : memref<256xf32, #tpu.memory_space<vmem>>, vector<16xf32>,
    tpu.vector_store %arg9[%swap3A_72], %scan3A_63#4 {strides = array<i32>} : memref<256xf32, #tpu.memory_space<vmem>>, vector<16xf32>,
    %swap3A_74 = arith.constant 80 : index
    %swap3A_75 = tpu.vector_load %arg9[%swap3A_74] {strides = array<i32>} : memref<256xf32, #tpu.memory_space<vmem>>, vector<16xf32>,
    tpu.vector_store %arg9[%swap3A_74], %scan3A_63#5 {strides = array<i32>} : memref<256xf32, #tpu.memory_space<vmem>>, vector<16xf32>,
    %swap3A_76 = arith.constant 96 : index
    %swap3A_77 = tpu.vector_load %arg9[%swap3A_76] {strides = array<i32>} : memref<256xf32, #tpu.memory_space<vmem>>, vector<16xf32>,
    tpu.vector_store %arg9[%swap3A_76], %scan3A_63#6 {strides = array<i32>} : memref<256xf32, #tpu.memory_space<vmem>>, vector<16xf32>,
    %swap3A_78 = arith.constant 112 : index
    %swap3A_79 = tpu.vector_load %arg9[%swap3A_78] {strides = array<i32>} : memref<256xf32, #tpu.memory_space<vmem>>, vector<16xf32>,
    tpu.vector_store %arg9[%swap3A_78], %scan3A_63#7 {strides = array<i32>} : memref<256xf32, #tpu.memory_space<vmem>>, vector<16xf32>,
    %swap3A_80 = arith.constant 128 : index
    %swap3A_81 = tpu.vector_load %arg9[%swap3A_80] {strides = array<i32>} : memref<256xf32, #tpu.memory_space<vmem>>, vector<16xf32>,
    tpu.vector_store %arg9[%swap3A_80], %scan3A_63#8 {strides = array<i32>} : memref<256xf32, #tpu.memory_space<vmem>>, vector<16xf32>,
    %swap3A_82 = arith.constant 144 : index
    %swap3A_83 = tpu.vector_load %arg9[%swap3A_82] {strides = array<i32>} : memref<256xf32, #tpu.memory_space<vmem>>, vector<16xf32>,
    tpu.vector_store %arg9[%swap3A_82], %scan3A_63#9 {strides = array<i32>} : memref<256xf32, #tpu.memory_space<vmem>>, vector<16xf32>,
    %swap3A_84 = arith.constant 160 : index
    %swap3A_85 = tpu.vector_load %arg9[%swap3A_84] {strides = array<i32>} : memref<256xf32, #tpu.memory_space<vmem>>, vector<16xf32>,
    tpu.vector_store %arg9[%swap3A_84], %scan3A_63#10 {strides = array<i32>} : memref<256xf32, #tpu.memory_space<vmem>>, vector<16xf32>,
    %swap3A_86 = arith.constant 176 : index
    %swap3A_87 = tpu.vector_load %arg9[%swap3A_86] {strides = array<i32>} : memref<256xf32, #tpu.memory_space<vmem>>, vector<16xf32>,
    tpu.vector_store %arg9[%swap3A_86], %scan3A_63#11 {strides = array<i32>} : memref<256xf32, #tpu.memory_space<vmem>>, vector<16xf32>,
    %swap3A_88 = arith.constant 192 : index
    %swap3A_89 = tpu.vector_load %arg9[%swap3A_88] {strides = array<i32>} : memref<256xf32, #tpu.memory_space<vmem>>, vector<16xf32>,
    tpu.vector_store %arg9[%swap3A_88], %scan3A_63#12 {strides = array<i32>} : memref<256xf32, #tpu.memory_space<vmem>>, vector<16xf32>,
    %swap3A_90 = arith.constant 208 : index
    %swap3A_91 = tpu.vector_load %arg9[%swap3A_90] {strides = array<i32>} : memref<256xf32, #tpu.memory_space<vmem>>, vector<16xf32>,
    tpu.vector_store %arg9[%swap3A_90], %scan3A_63#13 {strides = array<i32>} : memref<256xf32, #tpu.memory_space<vmem>>, vector<16xf32>,
    %swap3A_92 = arith.constant 224 : index
    %swap3A_93 = tpu.vector_load %arg9[%swap3A_92] {strides = array<i32>} : memref<256xf32, #tpu.memory_space<vmem>>, vector<16xf32>,
    tpu.vector_store %arg9[%swap3A_92], %scan3A_63#14 {strides = array<i32>} : memref<256xf32, #tpu.memory_space<vmem>>, vector<16xf32>,
    %swap3A_94 = arith.constant 240 : index
    %swap3A_95 = tpu.vector_load %arg9[%swap3A_94] {strides = array<i32>} : memref<256xf32, #tpu.memory_space<vmem>>, vector<16xf32>,
    tpu.vector_store %arg9[%swap3A_94], %scan3A_63#15 {strides = array<i32>} : memref<256xf32, #tpu.memory_space<vmem>>, vector<16xf32>,
    "tpu.region"() ({
      %run_scoped3A = tpu.sem_alloc : memref<!tpu.dma_semaphore, #tpu.memory_space<semaphore_mem>>
      %dma_start3A_96 = arith.constant 0 : i32
      %dma_start3A_97 = tpu.memref_slice %arg5[%add3A, %dma_start3A_96] : memref<32x256xf32, #tpu.memory_space<hbm>> -> memref<1x256xf32, #tpu.memory_space<hbm>>
      %dma_start3A_98 = tpu.memref_squeeze %dma_start3A_97 : memref<1x256xf32, #tpu.memory_space<hbm>> -> memref<256xf32, #tpu.memory_space<hbm>>
      %dma_start3A_99 = arith.constant 0 : i32
      %dma_start3A_100 = tpu.memref_slice %arg5[%add3A, %dma_start3A_99] : memref<32x256xf32, #tpu.memory_space<hbm>> -> memref<1x256xf32, #tpu.memory_space<hbm>>
      %dma_start3A_101 = tpu.memref_squeeze %dma_start3A_100 : memref<1x256xf32, #tpu.memory_space<hbm>> -> memref<256xf32, #tpu.memory_space<hbm>>
      tpu.enqueue_dma source(%arg9 : memref<256xf32, #tpu.memory_space<vmem>>) target(%dma_start3A_101 : memref<256xf32, #tpu.memory_space<hbm>>) target_semaphore(%run_scoped3A : memref<!tpu.dma_semaphore, #tpu.memory_space<semaphore_mem>>)
      %dma_wait3A_102 = arith.constant 0 : i32
      %dma_wait3A_103 = tpu.memref_slice %arg5[%add3A, %dma_wait3A_102] : memref<32x256xf32, #tpu.memory_space<hbm>> -> memref<1x256xf32, #tpu.memory_space<hbm>>
      %dma_wait3A_104 = tpu.memref_squeeze %dma_wait3A_103 : memref<1x256xf32, #tpu.memory_space<hbm>> -> memref<256xf32, #tpu.memory_space<hbm>>
      %dma_wait3A_105 = arith.constant 0 : i32
      %dma_wait3A_106 = tpu.memref_slice %arg5[%add3A, %dma_wait3A_105] : memref<32x256xf32, #tpu.memory_space<hbm>> -> memref<1x256xf32, #tpu.memory_space<hbm>>
      %dma_wait3A_107 = tpu.memref_squeeze %dma_wait3A_106 : memref<1x256xf32, #tpu.memory_space<hbm>> -> memref<256xf32, #tpu.memory_space<hbm>>
      tpu.wait_dma2 semaphore(%run_scoped3A : memref<!tpu.dma_semaphore, #tpu.memory_space<semaphore_mem>>) src(%arg9 : memref<256xf32, #tpu.memory_space<vmem>>) dst(%dma_wait3A_107 : memref<256xf32, #tpu.memory_space<hbm>>)
      tpu.yield
    }) : () -> ()
    return
  }
}

module attributes {stable_mosaic.version = 14 : i64} {
  func.func @_combine_body(%arg0: memref<8x256xf32, #tpu.memory_space<vmem>>, %arg1: memref<8x8xf32, #tpu.memory_space<vmem>>, %arg2: memref<32x256xf32, #tpu.memory_space<vmem>>, %arg3: memref<8x256xf32, #tpu.memory_space<vmem>>, %arg4: memref<256x256xf32, #tpu.memory_space<vmem>>, %arg5: memref<256x256xf32, #tpu.memory_space<vmem>>, %arg6: memref<1x256xf32, #tpu.memory_space<vmem>>, %arg7: memref<8x512xf32, #tpu.memory_space<vmem>>) attributes {dimension_semantics = [], scalar_prefetch = 0 : i64, scratch_operands = 0 : i64, tpu.core_type = #tpu.core_type<tc>} {
    %get3A = arith.constant 0 : index
    %get3A_0 = arith.constant 0 : index
    %get3A_1 = vector.load %arg3[%get3A, %get3A_0] : memref<8x256xf32, #tpu.memory_space<vmem>>, vector<8x256xf32>
    %get3A_2 = arith.constant 0 : index
    %get3A_3 = arith.constant 0 : index
    %get3A_4 = vector.load %arg1[%get3A_2, %get3A_3] : memref<8x8xf32, #tpu.memory_space<vmem>>, vector<8x8xf32>
    %transpose3A = tpu.transpose %get3A_4, [1, 0] : vector<8x8xf32> -> vector<8x8xf32>
    %get3A_5 = arith.constant 0 : index
    %get3A_6 = arith.constant 0 : index
    %get3A_7 = vector.load %arg0[%get3A_5, %get3A_6] : memref<8x256xf32, #tpu.memory_space<vmem>>, vector<8x256xf32>
    %slice3A = vector.extract_strided_slice %transpose3A {offsets = [0, 4], sizes = [8, 1], strides = [1, 1]} : vector<8x8xf32> to vector<8x1xf32>
    %get3A_8 = arith.constant 0 : index
    %get3A_9 = arith.constant 0 : index
    %get3A_10 = vector.load %arg2[%get3A_8, %get3A_9] : memref<32x256xf32, #tpu.memory_space<vmem>>, vector<8x256xf32>
    %mul3A = vector.broadcast %slice3A : vector<8x1xf32> to vector<8x256xf32>
    %mul3A_11 = arith.mulf %mul3A, %get3A_10 : vector<8x256xf32>
    %add3A = arith.addf %get3A_7, %mul3A_11 : vector<8x256xf32>
    %slice3A_12 = vector.extract_strided_slice %transpose3A {offsets = [0, 5], sizes = [8, 1], strides = [1, 1]} : vector<8x8xf32> to vector<8x1xf32>
    %get3A_13 = arith.constant 8 : index
    %get3A_14 = arith.constant 0 : index
    %get3A_15 = vector.load %arg2[%get3A_13, %get3A_14] : memref<32x256xf32, #tpu.memory_space<vmem>>, vector<8x256xf32>
    %mul3A_16 = vector.broadcast %slice3A_12 : vector<8x1xf32> to vector<8x256xf32>
    %mul3A_17 = arith.mulf %mul3A_16, %get3A_15 : vector<8x256xf32>
    %add3A_18 = arith.addf %add3A, %mul3A_17 : vector<8x256xf32>
    %slice3A_19 = vector.extract_strided_slice %transpose3A {offsets = [0, 6], sizes = [8, 1], strides = [1, 1]} : vector<8x8xf32> to vector<8x1xf32>
    %get3A_20 = arith.constant 16 : index
    %get3A_21 = arith.constant 0 : index
    %get3A_22 = vector.load %arg2[%get3A_20, %get3A_21] : memref<32x256xf32, #tpu.memory_space<vmem>>, vector<8x256xf32>
    %mul3A_23 = vector.broadcast %slice3A_19 : vector<8x1xf32> to vector<8x256xf32>
    %mul3A_24 = arith.mulf %mul3A_23, %get3A_22 : vector<8x256xf32>
    %add3A_25 = arith.addf %add3A_18, %mul3A_24 : vector<8x256xf32>
    %slice3A_26 = vector.extract_strided_slice %transpose3A {offsets = [0, 7], sizes = [8, 1], strides = [1, 1]} : vector<8x8xf32> to vector<8x1xf32>
    %get3A_27 = arith.constant 24 : index
    %get3A_28 = arith.constant 0 : index
    %get3A_29 = vector.load %arg2[%get3A_27, %get3A_28] : memref<32x256xf32, #tpu.memory_space<vmem>>, vector<8x256xf32>
    %mul3A_30 = vector.broadcast %slice3A_26 : vector<8x1xf32> to vector<8x256xf32>
    %mul3A_31 = arith.mulf %mul3A_30, %get3A_29 : vector<8x256xf32>
    %add3A_32 = arith.addf %add3A_25, %mul3A_31 : vector<8x256xf32>
    %reduce_sum3A = arith.constant dense<0.000000e+00> : vector<256xf32>
    %reduce_sum3A_33 = vector.multi_reduction <add>, %add3A_32, %reduce_sum3A [0] : vector<8x256xf32> to vector<256xf32>
    %broadcast_in_dim3A = vector.shape_cast %reduce_sum3A_33 : vector<256xf32> to vector<1x256xf32>
    %broadcast_in_dim3A_34 = vector.shape_cast %broadcast_in_dim3A : vector<1x256xf32> to vector<1x256xf32>
    %broadcast_in_dim3A_35 = vector.broadcast %broadcast_in_dim3A_34 : vector<1x256xf32> to vector<8x256xf32>
    %get3A_36 = arith.constant 0 : index
    %get3A_37 = arith.constant 0 : index
    %get3A_38 = vector.load %arg4[%get3A_36, %get3A_37] : memref<256x256xf32, #tpu.memory_space<vmem>>, vector<256x256xf32>
    %dot_general3A = arith.constant dense<0.000000e+00> : vector<8x256xf32>
    %dot_general3A_39 = tpu.matmul %broadcast_in_dim3A_35, %get3A_38, %dot_general3A {dimension_numbers = #tpu.dot_dimension_numbers<[1], [0], [0], [1], [0, 0, 1, 1], [], []>, transpose_lhs_hint = false} : vector<8x256xf32>, vector<256x256xf32>, vector<8x256xf32> -> vector<8x256xf32>
    %get3A_40 = arith.constant 0 : index
    %get3A_41 = arith.constant 0 : index
    %get3A_42 = vector.load %arg5[%get3A_40, %get3A_41] : memref<256x256xf32, #tpu.memory_space<vmem>>, vector<256x256xf32>
    %dot_general3A_43 = arith.constant dense<0.000000e+00> : vector<8x256xf32>
    %dot_general3A_44 = tpu.matmul %add3A_32, %get3A_42, %dot_general3A_43 {dimension_numbers = #tpu.dot_dimension_numbers<[1], [0], [0], [1], [0, 0, 1, 1], [], []>, transpose_lhs_hint = false} : vector<8x256xf32>, vector<256x256xf32>, vector<8x256xf32> -> vector<8x256xf32>
    %add3A_45 = arith.addf %dot_general3A_39, %dot_general3A_44 : vector<8x256xf32>
    %get3A_46 = arith.constant 0 : index
    %get3A_47 = arith.constant 0 : index
    %get3A_48 = vector.load %arg6[%get3A_46, %get3A_47] : memref<1x256xf32, #tpu.memory_space<vmem>>, vector<1x256xf32>
    %add3A_49 = vector.broadcast %get3A_48 : vector<1x256xf32> to vector<8x256xf32>
    %add3A_50 = arith.addf %add3A_45, %add3A_49 : vector<8x256xf32>
    %swap3A = arith.constant 0 : index
    %swap3A_51 = arith.constant 0 : index
    %swap3A_52 = vector.load %arg7[%swap3A, %swap3A_51] : memref<8x512xf32, #tpu.memory_space<vmem>>, vector<8x256xf32>
    tpu.vector_store %arg7[%swap3A, %swap3A_51], %add3A_50 {strides = array<i32>} : memref<8x512xf32, #tpu.memory_space<vmem>>, vector<8x256xf32>,
    %swap3A_53 = arith.constant 0 : index
    %swap3A_54 = arith.constant 256 : index
    %swap3A_55 = vector.load %arg7[%swap3A_53, %swap3A_54] : memref<8x512xf32, #tpu.memory_space<vmem>>, vector<8x256xf32>
    tpu.vector_store %arg7[%swap3A_53, %swap3A_54], %get3A_1 {strides = array<i32>} : memref<8x512xf32, #tpu.memory_space<vmem>>, vector<8x256xf32>,
    return
  }
}

module attributes {stable_mosaic.version = 14 : i64} {
  func.func @_tc_body(%arg0: i32, %arg1: memref<64xi32, #tpu.memory_space<smem>>, %arg2: memref<8x256xf32, #tpu.memory_space<vmem>>, %arg3: memref<256x256xf32, #tpu.memory_space<vmem>>, %arg4: memref<256x256xf32, #tpu.memory_space<vmem>>, %arg5: memref<1x256x256xf32, #tpu.memory_space<vmem>>, %arg6: memref<1x256x256xf32, #tpu.memory_space<vmem>>, %arg7: memref<1x256x256xf32, #tpu.memory_space<vmem>>, %arg8: memref<1x256x256xf32, #tpu.memory_space<vmem>>, %arg9: memref<1x256x256xf32, #tpu.memory_space<vmem>>, %arg10: memref<1x256x256xf32, #tpu.memory_space<vmem>>, %arg11: memref<1x256x256xf32, #tpu.memory_space<vmem>>, %arg12: memref<1x256x256xf32, #tpu.memory_space<vmem>>, %arg13: memref<1x256x256xf32, #tpu.memory_space<vmem>>, %arg14: memref<1x256x256xf32, #tpu.memory_space<vmem>>, %arg15: memref<1x256x256xf32, #tpu.memory_space<vmem>>, %arg16: memref<1x256x256xf32, #tpu.memory_space<vmem>>, %arg17: memref<1x256x256xf32, #tpu.memory_space<vmem>>, %arg18: memref<1x256x256xf32, #tpu.memory_space<vmem>>, %arg19: memref<1x256x256xf32, #tpu.memory_space<vmem>>, %arg20: memref<1x256x256xf32, #tpu.memory_space<vmem>>, %arg21: memref<1x256x256xf32, #tpu.memory_space<vmem>>, %arg22: memref<1x256x256xf32, #tpu.memory_space<vmem>>, %arg23: memref<1x256x256xf32, #tpu.memory_space<vmem>>, %arg24: memref<1x256x256xf32, #tpu.memory_space<vmem>>, %arg25: memref<1x256x256xf32, #tpu.memory_space<vmem>>, %arg26: memref<1x256x256xf32, #tpu.memory_space<vmem>>, %arg27: memref<1x256x256xf32, #tpu.memory_space<vmem>>, %arg28: memref<1x256x256xf32, #tpu.memory_space<vmem>>, %arg29: memref<1x256x256xf32, #tpu.memory_space<vmem>>, %arg30: memref<1x256x256xf32, #tpu.memory_space<vmem>>, %arg31: memref<1x256x256xf32, #tpu.memory_space<vmem>>, %arg32: memref<1x256x256xf32, #tpu.memory_space<vmem>>, %arg33: memref<1x256x256xf32, #tpu.memory_space<vmem>>, %arg34: memref<1x256x256xf32, #tpu.memory_space<vmem>>, %arg35: memref<1x256x256xf32, #tpu.memory_space<vmem>>, %arg36: memref<1x256x256xf32, #tpu.memory_space<vmem>>, %arg37: memref<256x256xf32, #tpu.memory_space<vmem>>, %arg38: memref<1x256xf32, #tpu.memory_space<vmem>>, %arg39: memref<8x256xf32, #tpu.memory_space<vmem>>, %arg40: memref<8x8xf32, #tpu.memory_space<vmem>>) attributes {dimension_semantics = [#tpu.dimension_semantics<arbitrary>], iteration_bounds = array<i64: 1>, scalar_prefetch = 1 : i64, scratch_operands = 0 : i64, tpu.core_type = #tpu.core_type<tc>, window_params = [{pipeline_mode = #tpu.pipeline_mode<synchronous>, transform_indices = @transform_0, window_bounds = array<i64: 8, 256>}, {pipeline_mode = #tpu.pipeline_mode<synchronous>, transform_indices = @transform_1, window_bounds = array<i64: 256, 256>}, {pipeline_mode = #tpu.pipeline_mode<synchronous>, transform_indices = @transform_2, window_bounds = array<i64: 256, 256>}, {transform_indices = @transform_3, window_bounds = array<i64: 1, 256, 256>}, {transform_indices = @transform_4, window_bounds = array<i64: 1, 256, 256>}, {transform_indices = @transform_5, window_bounds = array<i64: 1, 256, 256>}, {transform_indices = @transform_6, window_bounds = array<i64: 1, 256, 256>}, {transform_indices = @transform_7, window_bounds = array<i64: 1, 256, 256>}, {transform_indices = @transform_8, window_bounds = array<i64: 1, 256, 256>}, {transform_indices = @transform_9, window_bounds = array<i64: 1, 256, 256>}, {transform_indices = @transform_10, window_bounds = array<i64: 1, 256, 256>}, {transform_indices = @transform_11, window_bounds = array<i64: 1, 256, 256>}, {transform_indices = @transform_12, window_bounds = array<i64: 1, 256, 256>}, {transform_indices = @transform_13, window_bounds = array<i64: 1, 256, 256>}, {transform_indices = @transform_14, window_bounds = array<i64: 1, 256, 256>}, {transform_indices = @transform_15, window_bounds = array<i64: 1, 256, 256>}, {transform_indices = @transform_16, window_bounds = array<i64: 1, 256, 256>}, {transform_indices = @transform_17, window_bounds = array<i64: 1, 256, 256>}, {transform_indices = @transform_18, window_bounds = array<i64: 1, 256, 256>}, {transform_indices = @transform_19, window_bounds = array<i64: 1, 256, 256>}, {transform_indices = @transform_20, window_bounds = array<i64: 1, 256, 256>}, {transform_indices = @transform_21, window_bounds = array<i64: 1, 256, 256>}, {transform_indices = @transform_22, window_bounds = array<i64: 1, 256, 256>}, {transform_indices = @transform_23, window_bounds = array<i64: 1, 256, 256>}, {transform_indices = @transform_24, window_bounds = array<i64: 1, 256, 256>}, {transform_indices = @transform_25, window_bounds = array<i64: 1, 256, 256>}, {transform_indices = @transform_26, window_bounds = array<i64: 1, 256, 256>}, {transform_indices = @transform_27, window_bounds = array<i64: 1, 256, 256>}, {transform_indices = @transform_28, window_bounds = array<i64: 1, 256, 256>}, {transform_indices = @transform_29, window_bounds = array<i64: 1, 256, 256>}, {transform_indices = @transform_30, window_bounds = array<i64: 1, 256, 256>}, {transform_indices = @transform_31, window_bounds = array<i64: 1, 256, 256>}, {transform_indices = @transform_32, window_bounds = array<i64: 1, 256, 256>}, {transform_indices = @transform_33, window_bounds = array<i64: 1, 256, 256>}, {transform_indices = @transform_34, window_bounds = array<i64: 1, 256, 256>}, {pipeline_mode = #tpu.pipeline_mode<synchronous>, transform_indices = @transform_35, window_bounds = array<i64: 256, 256>}, {pipeline_mode = #tpu.pipeline_mode<synchronous>, transform_indices = @transform_36, window_bounds = array<i64: 1, 256>}, {pipeline_mode = #tpu.pipeline_mode<synchronous>, transform_indices = @transform_37, window_bounds = array<i64: 8, 256>}, {pipeline_mode = #tpu.pipeline_mode<synchronous>, transform_indices = @transform_38, window_bounds = array<i64: 8, 8>}]} {
    %get3A = arith.constant 0 : index
    %get3A_0 = arith.constant 0 : index
    %get3A_1 = vector.load %arg2[%get3A, %get3A_0] : memref<8x256xf32, #tpu.memory_space<vmem>>, vector<8x256xf32>
    %get3A_2 = arith.constant 0 : index
    %get3A_3 = arith.constant 0 : index
    %get3A_4 = vector.load %arg3[%get3A_2, %get3A_3] : memref<256x256xf32, #tpu.memory_space<vmem>>, vector<256x256xf32>
    %dot_general3A = arith.constant dense<0.000000e+00> : vector<8x256xf32>
    %dot_general3A_5 = tpu.matmul %get3A_1, %get3A_4, %dot_general3A {dimension_numbers = #tpu.dot_dimension_numbers<[1], [0], [0], [1], [0, 0, 1, 1], [], []>, transpose_lhs_hint = false} : vector<8x256xf32>, vector<256x256xf32>, vector<8x256xf32> -> vector<8x256xf32>
    %get3A_6 = arith.constant 0 : index
    %get3A_7 = arith.constant 0 : index
    %get3A_8 = vector.load %arg4[%get3A_6, %get3A_7] : memref<256x256xf32, #tpu.memory_space<vmem>>, vector<256x256xf32>
    %dot_general3A_9 = arith.constant dense<0.000000e+00> : vector<8x256xf32>
    %dot_general3A_10 = tpu.matmul %get3A_1, %get3A_8, %dot_general3A_9 {dimension_numbers = #tpu.dot_dimension_numbers<[1], [0], [0], [1], [0, 0, 1, 1], [], []>, transpose_lhs_hint = false} : vector<8x256xf32>, vector<256x256xf32>, vector<8x256xf32> -> vector<8x256xf32>
    %transpose3A = tpu.transpose %dot_general3A_10, [1, 0] : vector<8x256xf32> -> vector<256x8xf32>
    %dot_general3A_11 = arith.constant dense<0.000000e+00> : vector<8x8xf32>
    %dot_general3A_12 = tpu.matmul %dot_general3A_5, %transpose3A, %dot_general3A_11 {dimension_numbers = #tpu.dot_dimension_numbers<[1], [0], [0], [1], [0, 0, 1, 1], [], []>, transpose_lhs_hint = false} : vector<8x256xf32>, vector<256x8xf32>, vector<8x8xf32> -> vector<8x8xf32>
    %mul3A = arith.constant 6.250000e-02 : f32
    %mul3A_13 = vector.broadcast %mul3A : f32 to vector<8x8xf32>
    %mul3A_14 = arith.mulf %dot_general3A_12, %mul3A_13 : vector<8x8xf32>
    %reduce_max3A = arith.constant dense<0xFF800000> : vector<8xf32>
    %reduce_max3A_15 = vector.multi_reduction <maximumf>, %mul3A_14, %reduce_max3A [1] : vector<8x8xf32> to vector<8xf32>
    %broadcast_in_dim3A = vector.shape_cast %reduce_max3A_15 : vector<8xf32> to vector<8x1xf32>
    %sub3A = vector.broadcast %broadcast_in_dim3A : vector<8x1xf32> to vector<8x8xf32>
    %sub3A_16 = arith.subf %mul3A_14, %sub3A : vector<8x8xf32>
    %exp3A = math.exp %sub3A_16 : vector<8x8xf32>
    %reduce_sum3A = arith.constant dense<0.000000e+00> : vector<8xf32>
    %reduce_sum3A_17 = vector.multi_reduction <add>, %exp3A, %reduce_sum3A [1] : vector<8x8xf32> to vector<8xf32>
    %broadcast_in_dim3A_18 = vector.shape_cast %reduce_sum3A_17 : vector<8xf32> to vector<8x1xf32>
    %div3A = vector.broadcast %broadcast_in_dim3A_18 : vector<8x1xf32> to vector<8x8xf32>
    %div3A_19 = arith.divf %exp3A, %div3A : vector<8x8xf32>
    %swap3A = arith.constant 0 : index
    %swap3A_20 = arith.constant 0 : index
    %swap3A_21 = vector.load %arg40[%swap3A, %swap3A_20] : memref<8x8xf32, #tpu.memory_space<vmem>>, vector<8x8xf32>
    tpu.vector_store %arg40[%swap3A, %swap3A_20], %div3A_19 {strides = array<i32>} : memref<8x8xf32, #tpu.memory_space<vmem>>, vector<8x8xf32>,
    %broadcast_in_dim3A_22 = vector.shape_cast %div3A_19 : vector<8x8xf32> to vector<8x8x1xf32>
    %broadcast_in_dim3A_23 = vector.shape_cast %get3A_1 : vector<8x256xf32> to vector<8x1x256xf32>
    %mul3A_24 = vector.broadcast %broadcast_in_dim3A_22 : vector<8x8x1xf32> to vector<8x8x256xf32>
    %mul3A_25 = vector.broadcast %broadcast_in_dim3A_23 : vector<8x1x256xf32> to vector<8x8x256xf32>
    %mul3A_26 = arith.mulf %mul3A_24, %mul3A_25 : vector<8x8x256xf32>
    %reshape3A = vector.shape_cast %mul3A_26 : vector<8x8x256xf32> to vector<64x256xf32>
    %slice3A = vector.extract_strided_slice %reshape3A {offsets = [0, 0], sizes = [1, 256], strides = [1, 1]} : vector<64x256xf32> to vector<1x256xf32>
    %get3A_27 = arith.constant 0 : index
    %get3A_28 = arith.constant 0 : index
    %get3A_29 = arith.constant 0 : index
    %get3A_30 = vector.load %arg5[%get3A_27, %get3A_28, %get3A_29] : memref<1x256x256xf32, #tpu.memory_space<vmem>>, vector<1x256x256xf32>
    %get3A_31 = vector.shape_cast %get3A_30 : vector<1x256x256xf32> to vector<256x256xf32>
    %dot_general3A_32 = arith.constant dense<0.000000e+00> : vector<1x256xf32>
    %dot_general3A_33 = tpu.matmul %slice3A, %get3A_31, %dot_general3A_32 {dimension_numbers = #tpu.dot_dimension_numbers<[1], [0], [0], [1], [0, 0, 1, 1], [], []>, transpose_lhs_hint = false} : vector<1x256xf32>, vector<256x256xf32>, vector<1x256xf32> -> vector<1x256xf32>
    %slice3A_34 = vector.extract_strided_slice %reshape3A {offsets = [1, 0], sizes = [1, 256], strides = [1, 1]} : vector<64x256xf32> to vector<1x256xf32>
    %get3A_35 = arith.constant 0 : index
    %get3A_36 = arith.constant 0 : index
    %get3A_37 = arith.constant 0 : index
    %get3A_38 = vector.load %arg6[%get3A_35, %get3A_36, %get3A_37] : memref<1x256x256xf32, #tpu.memory_space<vmem>>, vector<1x256x256xf32>
    %get3A_39 = vector.shape_cast %get3A_38 : vector<1x256x256xf32> to vector<256x256xf32>
    %dot_general3A_40 = arith.constant dense<0.000000e+00> : vector<1x256xf32>
    %dot_general3A_41 = tpu.matmul %slice3A_34, %get3A_39, %dot_general3A_40 {dimension_numbers = #tpu.dot_dimension_numbers<[1], [0], [0], [1], [0, 0, 1, 1], [], []>, transpose_lhs_hint = false} : vector<1x256xf32>, vector<256x256xf32>, vector<1x256xf32> -> vector<1x256xf32>
    %slice3A_42 = vector.extract_strided_slice %reshape3A {offsets = [2, 0], sizes = [1, 256], strides = [1, 1]} : vector<64x256xf32> to vector<1x256xf32>
    %get3A_43 = arith.constant 0 : index
    %get3A_44 = arith.constant 0 : index
    %get3A_45 = arith.constant 0 : index
    %get3A_46 = vector.load %arg7[%get3A_43, %get3A_44, %get3A_45] : memref<1x256x256xf32, #tpu.memory_space<vmem>>, vector<1x256x256xf32>
    %get3A_47 = vector.shape_cast %get3A_46 : vector<1x256x256xf32> to vector<256x256xf32>
    %dot_general3A_48 = arith.constant dense<0.000000e+00> : vector<1x256xf32>
    %dot_general3A_49 = tpu.matmul %slice3A_42, %get3A_47, %dot_general3A_48 {dimension_numbers = #tpu.dot_dimension_numbers<[1], [0], [0], [1], [0, 0, 1, 1], [], []>, transpose_lhs_hint = false} : vector<1x256xf32>, vector<256x256xf32>, vector<1x256xf32> -> vector<1x256xf32>
    %slice3A_50 = vector.extract_strided_slice %reshape3A {offsets = [3, 0], sizes = [1, 256], strides = [1, 1]} : vector<64x256xf32> to vector<1x256xf32>
    %get3A_51 = arith.constant 0 : index
    %get3A_52 = arith.constant 0 : index
    %get3A_53 = arith.constant 0 : index
    %get3A_54 = vector.load %arg8[%get3A_51, %get3A_52, %get3A_53] : memref<1x256x256xf32, #tpu.memory_space<vmem>>, vector<1x256x256xf32>
    %get3A_55 = vector.shape_cast %get3A_54 : vector<1x256x256xf32> to vector<256x256xf32>
    %dot_general3A_56 = arith.constant dense<0.000000e+00> : vector<1x256xf32>
    %dot_general3A_57 = tpu.matmul %slice3A_50, %get3A_55, %dot_general3A_56 {dimension_numbers = #tpu.dot_dimension_numbers<[1], [0], [0], [1], [0, 0, 1, 1], [], []>, transpose_lhs_hint = false} : vector<1x256xf32>, vector<256x256xf32>, vector<1x256xf32> -> vector<1x256xf32>
    %slice3A_58 = vector.extract_strided_slice %reshape3A {offsets = [4, 0], sizes = [1, 256], strides = [1, 1]} : vector<64x256xf32> to vector<1x256xf32>
    %get3A_59 = arith.constant 0 : index
    %get3A_60 = arith.constant 0 : index
    %get3A_61 = arith.constant 0 : index
    %get3A_62 = vector.load %arg9[%get3A_59, %get3A_60, %get3A_61] : memref<1x256x256xf32, #tpu.memory_space<vmem>>, vector<1x256x256xf32>
    %get3A_63 = vector.shape_cast %get3A_62 : vector<1x256x256xf32> to vector<256x256xf32>
    %dot_general3A_64 = arith.constant dense<0.000000e+00> : vector<1x256xf32>
    %dot_general3A_65 = tpu.matmul %slice3A_58, %get3A_63, %dot_general3A_64 {dimension_numbers = #tpu.dot_dimension_numbers<[1], [0], [0], [1], [0, 0, 1, 1], [], []>, transpose_lhs_hint = false} : vector<1x256xf32>, vector<256x256xf32>, vector<1x256xf32> -> vector<1x256xf32>
    %slice3A_66 = vector.extract_strided_slice %reshape3A {offsets = [5, 0], sizes = [1, 256], strides = [1, 1]} : vector<64x256xf32> to vector<1x256xf32>
    %get3A_67 = arith.constant 0 : index
    %get3A_68 = arith.constant 0 : index
    %get3A_69 = arith.constant 0 : index
    %get3A_70 = vector.load %arg10[%get3A_67, %get3A_68, %get3A_69] : memref<1x256x256xf32, #tpu.memory_space<vmem>>, vector<1x256x256xf32>
    %get3A_71 = vector.shape_cast %get3A_70 : vector<1x256x256xf32> to vector<256x256xf32>
    %dot_general3A_72 = arith.constant dense<0.000000e+00> : vector<1x256xf32>
    %dot_general3A_73 = tpu.matmul %slice3A_66, %get3A_71, %dot_general3A_72 {dimension_numbers = #tpu.dot_dimension_numbers<[1], [0], [0], [1], [0, 0, 1, 1], [], []>, transpose_lhs_hint = false} : vector<1x256xf32>, vector<256x256xf32>, vector<1x256xf32> -> vector<1x256xf32>
    %slice3A_74 = vector.extract_strided_slice %reshape3A {offsets = [6, 0], sizes = [1, 256], strides = [1, 1]} : vector<64x256xf32> to vector<1x256xf32>
    %get3A_75 = arith.constant 0 : index
    %get3A_76 = arith.constant 0 : index
    %get3A_77 = arith.constant 0 : index
    %get3A_78 = vector.load %arg11[%get3A_75, %get3A_76, %get3A_77] : memref<1x256x256xf32, #tpu.memory_space<vmem>>, vector<1x256x256xf32>
    %get3A_79 = vector.shape_cast %get3A_78 : vector<1x256x256xf32> to vector<256x256xf32>
    %dot_general3A_80 = arith.constant dense<0.000000e+00> : vector<1x256xf32>
    %dot_general3A_81 = tpu.matmul %slice3A_74, %get3A_79, %dot_general3A_80 {dimension_numbers = #tpu.dot_dimension_numbers<[1], [0], [0], [1], [0, 0, 1, 1], [], []>, transpose_lhs_hint = false} : vector<1x256xf32>, vector<256x256xf32>, vector<1x256xf32> -> vector<1x256xf32>
    %slice3A_82 = vector.extract_strided_slice %reshape3A {offsets = [7, 0], sizes = [1, 256], strides = [1, 1]} : vector<64x256xf32> to vector<1x256xf32>
    %get3A_83 = arith.constant 0 : index
    %get3A_84 = arith.constant 0 : index
    %get3A_85 = arith.constant 0 : index
    %get3A_86 = vector.load %arg12[%get3A_83, %get3A_84, %get3A_85] : memref<1x256x256xf32, #tpu.memory_space<vmem>>, vector<1x256x256xf32>
    %get3A_87 = vector.shape_cast %get3A_86 : vector<1x256x256xf32> to vector<256x256xf32>
    %dot_general3A_88 = arith.constant dense<0.000000e+00> : vector<1x256xf32>
    %dot_general3A_89 = tpu.matmul %slice3A_82, %get3A_87, %dot_general3A_88 {dimension_numbers = #tpu.dot_dimension_numbers<[1], [0], [0], [1], [0, 0, 1, 1], [], []>, transpose_lhs_hint = false} : vector<1x256xf32>, vector<256x256xf32>, vector<1x256xf32> -> vector<1x256xf32>
    %slice3A_90 = vector.extract_strided_slice %reshape3A {offsets = [8, 0], sizes = [1, 256], strides = [1, 1]} : vector<64x256xf32> to vector<1x256xf32>
    %get3A_91 = arith.constant 0 : index
    %get3A_92 = arith.constant 0 : index
    %get3A_93 = arith.constant 0 : index
    %get3A_94 = vector.load %arg13[%get3A_91, %get3A_92, %get3A_93] : memref<1x256x256xf32, #tpu.memory_space<vmem>>, vector<1x256x256xf32>
    %get3A_95 = vector.shape_cast %get3A_94 : vector<1x256x256xf32> to vector<256x256xf32>
    %dot_general3A_96 = arith.constant dense<0.000000e+00> : vector<1x256xf32>
    %dot_general3A_97 = tpu.matmul %slice3A_90, %get3A_95, %dot_general3A_96 {dimension_numbers = #tpu.dot_dimension_numbers<[1], [0], [0], [1], [0, 0, 1, 1], [], []>, transpose_lhs_hint = false} : vector<1x256xf32>, vector<256x256xf32>, vector<1x256xf32> -> vector<1x256xf32>
    %slice3A_98 = vector.extract_strided_slice %reshape3A {offsets = [9, 0], sizes = [1, 256], strides = [1, 1]} : vector<64x256xf32> to vector<1x256xf32>
    %get3A_99 = arith.constant 0 : index
    %get3A_100 = arith.constant 0 : index
    %get3A_101 = arith.constant 0 : index
    %get3A_102 = vector.load %arg14[%get3A_99, %get3A_100, %get3A_101] : memref<1x256x256xf32, #tpu.memory_space<vmem>>, vector<1x256x256xf32>
    %get3A_103 = vector.shape_cast %get3A_102 : vector<1x256x256xf32> to vector<256x256xf32>
    %dot_general3A_104 = arith.constant dense<0.000000e+00> : vector<1x256xf32>
    %dot_general3A_105 = tpu.matmul %slice3A_98, %get3A_103, %dot_general3A_104 {dimension_numbers = #tpu.dot_dimension_numbers<[1], [0], [0], [1], [0, 0, 1, 1], [], []>, transpose_lhs_hint = false} : vector<1x256xf32>, vector<256x256xf32>, vector<1x256xf32> -> vector<1x256xf32>
    %slice3A_106 = vector.extract_strided_slice %reshape3A {offsets = [10, 0], sizes = [1, 256], strides = [1, 1]} : vector<64x256xf32> to vector<1x256xf32>
    %get3A_107 = arith.constant 0 : index
    %get3A_108 = arith.constant 0 : index
    %get3A_109 = arith.constant 0 : index
    %get3A_110 = vector.load %arg15[%get3A_107, %get3A_108, %get3A_109] : memref<1x256x256xf32, #tpu.memory_space<vmem>>, vector<1x256x256xf32>
    %get3A_111 = vector.shape_cast %get3A_110 : vector<1x256x256xf32> to vector<256x256xf32>
    %dot_general3A_112 = arith.constant dense<0.000000e+00> : vector<1x256xf32>
    %dot_general3A_113 = tpu.matmul %slice3A_106, %get3A_111, %dot_general3A_112 {dimension_numbers = #tpu.dot_dimension_numbers<[1], [0], [0], [1], [0, 0, 1, 1], [], []>, transpose_lhs_hint = false} : vector<1x256xf32>, vector<256x256xf32>, vector<1x256xf32> -> vector<1x256xf32>
    %slice3A_114 = vector.extract_strided_slice %reshape3A {offsets = [11, 0], sizes = [1, 256], strides = [1, 1]} : vector<64x256xf32> to vector<1x256xf32>
    %get3A_115 = arith.constant 0 : index
    %get3A_116 = arith.constant 0 : index
    %get3A_117 = arith.constant 0 : index
    %get3A_118 = vector.load %arg16[%get3A_115, %get3A_116, %get3A_117] : memref<1x256x256xf32, #tpu.memory_space<vmem>>, vector<1x256x256xf32>
    %get3A_119 = vector.shape_cast %get3A_118 : vector<1x256x256xf32> to vector<256x256xf32>
    %dot_general3A_120 = arith.constant dense<0.000000e+00> : vector<1x256xf32>
    %dot_general3A_121 = tpu.matmul %slice3A_114, %get3A_119, %dot_general3A_120 {dimension_numbers = #tpu.dot_dimension_numbers<[1], [0], [0], [1], [0, 0, 1, 1], [], []>, transpose_lhs_hint = false} : vector<1x256xf32>, vector<256x256xf32>, vector<1x256xf32> -> vector<1x256xf32>
    %slice3A_122 = vector.extract_strided_slice %reshape3A {offsets = [12, 0], sizes = [1, 256], strides = [1, 1]} : vector<64x256xf32> to vector<1x256xf32>
    %get3A_123 = arith.constant 0 : index
    %get3A_124 = arith.constant 0 : index
    %get3A_125 = arith.constant 0 : index
    %get3A_126 = vector.load %arg17[%get3A_123, %get3A_124, %get3A_125] : memref<1x256x256xf32, #tpu.memory_space<vmem>>, vector<1x256x256xf32>
    %get3A_127 = vector.shape_cast %get3A_126 : vector<1x256x256xf32> to vector<256x256xf32>
    %dot_general3A_128 = arith.constant dense<0.000000e+00> : vector<1x256xf32>
    %dot_general3A_129 = tpu.matmul %slice3A_122, %get3A_127, %dot_general3A_128 {dimension_numbers = #tpu.dot_dimension_numbers<[1], [0], [0], [1], [0, 0, 1, 1], [], []>, transpose_lhs_hint = false} : vector<1x256xf32>, vector<256x256xf32>, vector<1x256xf32> -> vector<1x256xf32>
    %slice3A_130 = vector.extract_strided_slice %reshape3A {offsets = [13, 0], sizes = [1, 256], strides = [1, 1]} : vector<64x256xf32> to vector<1x256xf32>
    %get3A_131 = arith.constant 0 : index
    %get3A_132 = arith.constant 0 : index
    %get3A_133 = arith.constant 0 : index
    %get3A_134 = vector.load %arg18[%get3A_131, %get3A_132, %get3A_133] : memref<1x256x256xf32, #tpu.memory_space<vmem>>, vector<1x256x256xf32>
    %get3A_135 = vector.shape_cast %get3A_134 : vector<1x256x256xf32> to vector<256x256xf32>
    %dot_general3A_136 = arith.constant dense<0.000000e+00> : vector<1x256xf32>
    %dot_general3A_137 = tpu.matmul %slice3A_130, %get3A_135, %dot_general3A_136 {dimension_numbers = #tpu.dot_dimension_numbers<[1], [0], [0], [1], [0, 0, 1, 1], [], []>, transpose_lhs_hint = false} : vector<1x256xf32>, vector<256x256xf32>, vector<1x256xf32> -> vector<1x256xf32>
    %slice3A_138 = vector.extract_strided_slice %reshape3A {offsets = [14, 0], sizes = [1, 256], strides = [1, 1]} : vector<64x256xf32> to vector<1x256xf32>
    %get3A_139 = arith.constant 0 : index
    %get3A_140 = arith.constant 0 : index
    %get3A_141 = arith.constant 0 : index
    %get3A_142 = vector.load %arg19[%get3A_139, %get3A_140, %get3A_141] : memref<1x256x256xf32, #tpu.memory_space<vmem>>, vector<1x256x256xf32>
    %get3A_143 = vector.shape_cast %get3A_142 : vector<1x256x256xf32> to vector<256x256xf32>
    %dot_general3A_144 = arith.constant dense<0.000000e+00> : vector<1x256xf32>
    %dot_general3A_145 = tpu.matmul %slice3A_138, %get3A_143, %dot_general3A_144 {dimension_numbers = #tpu.dot_dimension_numbers<[1], [0], [0], [1], [0, 0, 1, 1], [], []>, transpose_lhs_hint = false} : vector<1x256xf32>, vector<256x256xf32>, vector<1x256xf32> -> vector<1x256xf32>
    %slice3A_146 = vector.extract_strided_slice %reshape3A {offsets = [15, 0], sizes = [1, 256], strides = [1, 1]} : vector<64x256xf32> to vector<1x256xf32>
    %get3A_147 = arith.constant 0 : index
    %get3A_148 = arith.constant 0 : index
    %get3A_149 = arith.constant 0 : index
    %get3A_150 = vector.load %arg20[%get3A_147, %get3A_148, %get3A_149] : memref<1x256x256xf32, #tpu.memory_space<vmem>>, vector<1x256x256xf32>
    %get3A_151 = vector.shape_cast %get3A_150 : vector<1x256x256xf32> to vector<256x256xf32>
    %dot_general3A_152 = arith.constant dense<0.000000e+00> : vector<1x256xf32>
    %dot_general3A_153 = tpu.matmul %slice3A_146, %get3A_151, %dot_general3A_152 {dimension_numbers = #tpu.dot_dimension_numbers<[1], [0], [0], [1], [0, 0, 1, 1], [], []>, transpose_lhs_hint = false} : vector<1x256xf32>, vector<256x256xf32>, vector<1x256xf32> -> vector<1x256xf32>
    %slice3A_154 = vector.extract_strided_slice %reshape3A {offsets = [16, 0], sizes = [1, 256], strides = [1, 1]} : vector<64x256xf32> to vector<1x256xf32>
    %get3A_155 = arith.constant 0 : index
    %get3A_156 = arith.constant 0 : index
    %get3A_157 = arith.constant 0 : index
    %get3A_158 = vector.load %arg21[%get3A_155, %get3A_156, %get3A_157] : memref<1x256x256xf32, #tpu.memory_space<vmem>>, vector<1x256x256xf32>
    %get3A_159 = vector.shape_cast %get3A_158 : vector<1x256x256xf32> to vector<256x256xf32>
    %dot_general3A_160 = arith.constant dense<0.000000e+00> : vector<1x256xf32>
    %dot_general3A_161 = tpu.matmul %slice3A_154, %get3A_159, %dot_general3A_160 {dimension_numbers = #tpu.dot_dimension_numbers<[1], [0], [0], [1], [0, 0, 1, 1], [], []>, transpose_lhs_hint = false} : vector<1x256xf32>, vector<256x256xf32>, vector<1x256xf32> -> vector<1x256xf32>
    %slice3A_162 = vector.extract_strided_slice %reshape3A {offsets = [17, 0], sizes = [1, 256], strides = [1, 1]} : vector<64x256xf32> to vector<1x256xf32>
    %get3A_163 = arith.constant 0 : index
    %get3A_164 = arith.constant 0 : index
    %get3A_165 = arith.constant 0 : index
    %get3A_166 = vector.load %arg22[%get3A_163, %get3A_164, %get3A_165] : memref<1x256x256xf32, #tpu.memory_space<vmem>>, vector<1x256x256xf32>
    %get3A_167 = vector.shape_cast %get3A_166 : vector<1x256x256xf32> to vector<256x256xf32>
    %dot_general3A_168 = arith.constant dense<0.000000e+00> : vector<1x256xf32>
    %dot_general3A_169 = tpu.matmul %slice3A_162, %get3A_167, %dot_general3A_168 {dimension_numbers = #tpu.dot_dimension_numbers<[1], [0], [0], [1], [0, 0, 1, 1], [], []>, transpose_lhs_hint = false} : vector<1x256xf32>, vector<256x256xf32>, vector<1x256xf32> -> vector<1x256xf32>
    %slice3A_170 = vector.extract_strided_slice %reshape3A {offsets = [18, 0], sizes = [1, 256], strides = [1, 1]} : vector<64x256xf32> to vector<1x256xf32>
    %get3A_171 = arith.constant 0 : index
    %get3A_172 = arith.constant 0 : index
    %get3A_173 = arith.constant 0 : index
    %get3A_174 = vector.load %arg23[%get3A_171, %get3A_172, %get3A_173] : memref<1x256x256xf32, #tpu.memory_space<vmem>>, vector<1x256x256xf32>
    %get3A_175 = vector.shape_cast %get3A_174 : vector<1x256x256xf32> to vector<256x256xf32>
    %dot_general3A_176 = arith.constant dense<0.000000e+00> : vector<1x256xf32>
    %dot_general3A_177 = tpu.matmul %slice3A_170, %get3A_175, %dot_general3A_176 {dimension_numbers = #tpu.dot_dimension_numbers<[1], [0], [0], [1], [0, 0, 1, 1], [], []>, transpose_lhs_hint = false} : vector<1x256xf32>, vector<256x256xf32>, vector<1x256xf32> -> vector<1x256xf32>
    %slice3A_178 = vector.extract_strided_slice %reshape3A {offsets = [19, 0], sizes = [1, 256], strides = [1, 1]} : vector<64x256xf32> to vector<1x256xf32>
    %get3A_179 = arith.constant 0 : index
    %get3A_180 = arith.constant 0 : index
    %get3A_181 = arith.constant 0 : index
    %get3A_182 = vector.load %arg24[%get3A_179, %get3A_180, %get3A_181] : memref<1x256x256xf32, #tpu.memory_space<vmem>>, vector<1x256x256xf32>
    %get3A_183 = vector.shape_cast %get3A_182 : vector<1x256x256xf32> to vector<256x256xf32>
    %dot_general3A_184 = arith.constant dense<0.000000e+00> : vector<1x256xf32>
    %dot_general3A_185 = tpu.matmul %slice3A_178, %get3A_183, %dot_general3A_184 {dimension_numbers = #tpu.dot_dimension_numbers<[1], [0], [0], [1], [0, 0, 1, 1], [], []>, transpose_lhs_hint = false} : vector<1x256xf32>, vector<256x256xf32>, vector<1x256xf32> -> vector<1x256xf32>
    %slice3A_186 = vector.extract_strided_slice %reshape3A {offsets = [20, 0], sizes = [1, 256], strides = [1, 1]} : vector<64x256xf32> to vector<1x256xf32>
    %get3A_187 = arith.constant 0 : index
    %get3A_188 = arith.constant 0 : index
    %get3A_189 = arith.constant 0 : index
    %get3A_190 = vector.load %arg25[%get3A_187, %get3A_188, %get3A_189] : memref<1x256x256xf32, #tpu.memory_space<vmem>>, vector<1x256x256xf32>
    %get3A_191 = vector.shape_cast %get3A_190 : vector<1x256x256xf32> to vector<256x256xf32>
    %dot_general3A_192 = arith.constant dense<0.000000e+00> : vector<1x256xf32>
    %dot_general3A_193 = tpu.matmul %slice3A_186, %get3A_191, %dot_general3A_192 {dimension_numbers = #tpu.dot_dimension_numbers<[1], [0], [0], [1], [0, 0, 1, 1], [], []>, transpose_lhs_hint = false} : vector<1x256xf32>, vector<256x256xf32>, vector<1x256xf32> -> vector<1x256xf32>
    %slice3A_194 = vector.extract_strided_slice %reshape3A {offsets = [21, 0], sizes = [1, 256], strides = [1, 1]} : vector<64x256xf32> to vector<1x256xf32>
    %get3A_195 = arith.constant 0 : index
    %get3A_196 = arith.constant 0 : index
    %get3A_197 = arith.constant 0 : index
    %get3A_198 = vector.load %arg26[%get3A_195, %get3A_196, %get3A_197] : memref<1x256x256xf32, #tpu.memory_space<vmem>>, vector<1x256x256xf32>
    %get3A_199 = vector.shape_cast %get3A_198 : vector<1x256x256xf32> to vector<256x256xf32>
    %dot_general3A_200 = arith.constant dense<0.000000e+00> : vector<1x256xf32>
    %dot_general3A_201 = tpu.matmul %slice3A_194, %get3A_199, %dot_general3A_200 {dimension_numbers = #tpu.dot_dimension_numbers<[1], [0], [0], [1], [0, 0, 1, 1], [], []>, transpose_lhs_hint = false} : vector<1x256xf32>, vector<256x256xf32>, vector<1x256xf32> -> vector<1x256xf32>
    %slice3A_202 = vector.extract_strided_slice %reshape3A {offsets = [22, 0], sizes = [1, 256], strides = [1, 1]} : vector<64x256xf32> to vector<1x256xf32>
    %get3A_203 = arith.constant 0 : index
    %get3A_204 = arith.constant 0 : index
    %get3A_205 = arith.constant 0 : index
    %get3A_206 = vector.load %arg27[%get3A_203, %get3A_204, %get3A_205] : memref<1x256x256xf32, #tpu.memory_space<vmem>>, vector<1x256x256xf32>
    %get3A_207 = vector.shape_cast %get3A_206 : vector<1x256x256xf32> to vector<256x256xf32>
    %dot_general3A_208 = arith.constant dense<0.000000e+00> : vector<1x256xf32>
    %dot_general3A_209 = tpu.matmul %slice3A_202, %get3A_207, %dot_general3A_208 {dimension_numbers = #tpu.dot_dimension_numbers<[1], [0], [0], [1], [0, 0, 1, 1], [], []>, transpose_lhs_hint = false} : vector<1x256xf32>, vector<256x256xf32>, vector<1x256xf32> -> vector<1x256xf32>
    %slice3A_210 = vector.extract_strided_slice %reshape3A {offsets = [23, 0], sizes = [1, 256], strides = [1, 1]} : vector<64x256xf32> to vector<1x256xf32>
    %get3A_211 = arith.constant 0 : index
    %get3A_212 = arith.constant 0 : index
    %get3A_213 = arith.constant 0 : index
    %get3A_214 = vector.load %arg28[%get3A_211, %get3A_212, %get3A_213] : memref<1x256x256xf32, #tpu.memory_space<vmem>>, vector<1x256x256xf32>
    %get3A_215 = vector.shape_cast %get3A_214 : vector<1x256x256xf32> to vector<256x256xf32>
    %dot_general3A_216 = arith.constant dense<0.000000e+00> : vector<1x256xf32>
    %dot_general3A_217 = tpu.matmul %slice3A_210, %get3A_215, %dot_general3A_216 {dimension_numbers = #tpu.dot_dimension_numbers<[1], [0], [0], [1], [0, 0, 1, 1], [], []>, transpose_lhs_hint = false} : vector<1x256xf32>, vector<256x256xf32>, vector<1x256xf32> -> vector<1x256xf32>
    %slice3A_218 = vector.extract_strided_slice %reshape3A {offsets = [24, 0], sizes = [1, 256], strides = [1, 1]} : vector<64x256xf32> to vector<1x256xf32>
    %get3A_219 = arith.constant 0 : index
    %get3A_220 = arith.constant 0 : index
    %get3A_221 = arith.constant 0 : index
    %get3A_222 = vector.load %arg29[%get3A_219, %get3A_220, %get3A_221] : memref<1x256x256xf32, #tpu.memory_space<vmem>>, vector<1x256x256xf32>
    %get3A_223 = vector.shape_cast %get3A_222 : vector<1x256x256xf32> to vector<256x256xf32>
    %dot_general3A_224 = arith.constant dense<0.000000e+00> : vector<1x256xf32>
    %dot_general3A_225 = tpu.matmul %slice3A_218, %get3A_223, %dot_general3A_224 {dimension_numbers = #tpu.dot_dimension_numbers<[1], [0], [0], [1], [0, 0, 1, 1], [], []>, transpose_lhs_hint = false} : vector<1x256xf32>, vector<256x256xf32>, vector<1x256xf32> -> vector<1x256xf32>
    %slice3A_226 = vector.extract_strided_slice %reshape3A {offsets = [25, 0], sizes = [1, 256], strides = [1, 1]} : vector<64x256xf32> to vector<1x256xf32>
    %get3A_227 = arith.constant 0 : index
    %get3A_228 = arith.constant 0 : index
    %get3A_229 = arith.constant 0 : index
    %get3A_230 = vector.load %arg30[%get3A_227, %get3A_228, %get3A_229] : memref<1x256x256xf32, #tpu.memory_space<vmem>>, vector<1x256x256xf32>
    %get3A_231 = vector.shape_cast %get3A_230 : vector<1x256x256xf32> to vector<256x256xf32>
    %dot_general3A_232 = arith.constant dense<0.000000e+00> : vector<1x256xf32>
    %dot_general3A_233 = tpu.matmul %slice3A_226, %get3A_231, %dot_general3A_232 {dimension_numbers = #tpu.dot_dimension_numbers<[1], [0], [0], [1], [0, 0, 1, 1], [], []>, transpose_lhs_hint = false} : vector<1x256xf32>, vector<256x256xf32>, vector<1x256xf32> -> vector<1x256xf32>
    %slice3A_234 = vector.extract_strided_slice %reshape3A {offsets = [26, 0], sizes = [1, 256], strides = [1, 1]} : vector<64x256xf32> to vector<1x256xf32>
    %get3A_235 = arith.constant 0 : index
    %get3A_236 = arith.constant 0 : index
    %get3A_237 = arith.constant 0 : index
    %get3A_238 = vector.load %arg31[%get3A_235, %get3A_236, %get3A_237] : memref<1x256x256xf32, #tpu.memory_space<vmem>>, vector<1x256x256xf32>
    %get3A_239 = vector.shape_cast %get3A_238 : vector<1x256x256xf32> to vector<256x256xf32>
    %dot_general3A_240 = arith.constant dense<0.000000e+00> : vector<1x256xf32>
    %dot_general3A_241 = tpu.matmul %slice3A_234, %get3A_239, %dot_general3A_240 {dimension_numbers = #tpu.dot_dimension_numbers<[1], [0], [0], [1], [0, 0, 1, 1], [], []>, transpose_lhs_hint = false} : vector<1x256xf32>, vector<256x256xf32>, vector<1x256xf32> -> vector<1x256xf32>
    %slice3A_242 = vector.extract_strided_slice %reshape3A {offsets = [27, 0], sizes = [1, 256], strides = [1, 1]} : vector<64x256xf32> to vector<1x256xf32>
    %get3A_243 = arith.constant 0 : index
    %get3A_244 = arith.constant 0 : index
    %get3A_245 = arith.constant 0 : index
    %get3A_246 = vector.load %arg32[%get3A_243, %get3A_244, %get3A_245] : memref<1x256x256xf32, #tpu.memory_space<vmem>>, vector<1x256x256xf32>
    %get3A_247 = vector.shape_cast %get3A_246 : vector<1x256x256xf32> to vector<256x256xf32>
    %dot_general3A_248 = arith.constant dense<0.000000e+00> : vector<1x256xf32>
    %dot_general3A_249 = tpu.matmul %slice3A_242, %get3A_247, %dot_general3A_248 {dimension_numbers = #tpu.dot_dimension_numbers<[1], [0], [0], [1], [0, 0, 1, 1], [], []>, transpose_lhs_hint = false} : vector<1x256xf32>, vector<256x256xf32>, vector<1x256xf32> -> vector<1x256xf32>
    %slice3A_250 = vector.extract_strided_slice %reshape3A {offsets = [28, 0], sizes = [1, 256], strides = [1, 1]} : vector<64x256xf32> to vector<1x256xf32>
    %get3A_251 = arith.constant 0 : index
    %get3A_252 = arith.constant 0 : index
    %get3A_253 = arith.constant 0 : index
    %get3A_254 = vector.load %arg33[%get3A_251, %get3A_252, %get3A_253] : memref<1x256x256xf32, #tpu.memory_space<vmem>>, vector<1x256x256xf32>
    %get3A_255 = vector.shape_cast %get3A_254 : vector<1x256x256xf32> to vector<256x256xf32>
    %dot_general3A_256 = arith.constant dense<0.000000e+00> : vector<1x256xf32>
    %dot_general3A_257 = tpu.matmul %slice3A_250, %get3A_255, %dot_general3A_256 {dimension_numbers = #tpu.dot_dimension_numbers<[1], [0], [0], [1], [0, 0, 1, 1], [], []>, transpose_lhs_hint = false} : vector<1x256xf32>, vector<256x256xf32>, vector<1x256xf32> -> vector<1x256xf32>
    %slice3A_258 = vector.extract_strided_slice %reshape3A {offsets = [29, 0], sizes = [1, 256], strides = [1, 1]} : vector<64x256xf32> to vector<1x256xf32>
    %get3A_259 = arith.constant 0 : index
    %get3A_260 = arith.constant 0 : index
    %get3A_261 = arith.constant 0 : index
    %get3A_262 = vector.load %arg34[%get3A_259, %get3A_260, %get3A_261] : memref<1x256x256xf32, #tpu.memory_space<vmem>>, vector<1x256x256xf32>
    %get3A_263 = vector.shape_cast %get3A_262 : vector<1x256x256xf32> to vector<256x256xf32>
    %dot_general3A_264 = arith.constant dense<0.000000e+00> : vector<1x256xf32>
    %dot_general3A_265 = tpu.matmul %slice3A_258, %get3A_263, %dot_general3A_264 {dimension_numbers = #tpu.dot_dimension_numbers<[1], [0], [0], [1], [0, 0, 1, 1], [], []>, transpose_lhs_hint = false} : vector<1x256xf32>, vector<256x256xf32>, vector<1x256xf32> -> vector<1x256xf32>
    %slice3A_266 = vector.extract_strided_slice %reshape3A {offsets = [30, 0], sizes = [1, 256], strides = [1, 1]} : vector<64x256xf32> to vector<1x256xf32>
    %get3A_267 = arith.constant 0 : index
    %get3A_268 = arith.constant 0 : index
    %get3A_269 = arith.constant 0 : index
    %get3A_270 = vector.load %arg35[%get3A_267, %get3A_268, %get3A_269] : memref<1x256x256xf32, #tpu.memory_space<vmem>>, vector<1x256x256xf32>
    %get3A_271 = vector.shape_cast %get3A_270 : vector<1x256x256xf32> to vector<256x256xf32>
    %dot_general3A_272 = arith.constant dense<0.000000e+00> : vector<1x256xf32>
    %dot_general3A_273 = tpu.matmul %slice3A_266, %get3A_271, %dot_general3A_272 {dimension_numbers = #tpu.dot_dimension_numbers<[1], [0], [0], [1], [0, 0, 1, 1], [], []>, transpose_lhs_hint = false} : vector<1x256xf32>, vector<256x256xf32>, vector<1x256xf32> -> vector<1x256xf32>
    %slice3A_274 = vector.extract_strided_slice %reshape3A {offsets = [31, 0], sizes = [1, 256], strides = [1, 1]} : vector<64x256xf32> to vector<1x256xf32>
    %get3A_275 = arith.constant 0 : index
    %get3A_276 = arith.constant 0 : index
    %get3A_277 = arith.constant 0 : index
    %get3A_278 = vector.load %arg36[%get3A_275, %get3A_276, %get3A_277] : memref<1x256x256xf32, #tpu.memory_space<vmem>>, vector<1x256x256xf32>
    %get3A_279 = vector.shape_cast %get3A_278 : vector<1x256x256xf32> to vector<256x256xf32>
    %dot_general3A_280 = arith.constant dense<0.000000e+00> : vector<1x256xf32>
    %dot_general3A_281 = tpu.matmul %slice3A_274, %get3A_279, %dot_general3A_280 {dimension_numbers = #tpu.dot_dimension_numbers<[1], [0], [0], [1], [0, 0, 1, 1], [], []>, transpose_lhs_hint = false} : vector<1x256xf32>, vector<256x256xf32>, vector<1x256xf32> -> vector<1x256xf32>
    %get3A_282 = arith.constant 0 : index
    %get3A_283 = arith.constant 0 : index
    %get3A_284 = vector.load %arg37[%get3A_282, %get3A_283] : memref<256x256xf32, #tpu.memory_space<vmem>>, vector<256x256xf32>
    %dot_general3A_285 = arith.constant dense<0.000000e+00> : vector<8x256xf32>
    %dot_general3A_286 = tpu.matmul %get3A_1, %get3A_284, %dot_general3A_285 {dimension_numbers = #tpu.dot_dimension_numbers<[1], [0], [0], [1], [0, 0, 1, 1], [], []>, transpose_lhs_hint = false} : vector<8x256xf32>, vector<256x256xf32>, vector<8x256xf32> -> vector<8x256xf32>
    %get3A_287 = arith.constant 0 : index
    %get3A_288 = arith.constant 0 : index
    %get3A_289 = vector.load %arg38[%get3A_287, %get3A_288] : memref<1x256xf32, #tpu.memory_space<vmem>>, vector<1x256xf32>
    %add3A = vector.broadcast %get3A_289 : vector<1x256xf32> to vector<8x256xf32>
    %add3A_290 = arith.addf %dot_general3A_286, %add3A : vector<8x256xf32>
    %concatenate3A = tpu.concatenate %dot_general3A_33, %dot_general3A_41, %dot_general3A_49, %dot_general3A_57, %dot_general3A_65, %dot_general3A_73, %dot_general3A_81, %dot_general3A_89 in 0 : vector<1x256xf32>, vector<1x256xf32>, vector<1x256xf32>, vector<1x256xf32>, vector<1x256xf32>, vector<1x256xf32>, vector<1x256xf32>, vector<1x256xf32> -> vector<8x256xf32>
    %add3A_291 = arith.addf %add3A_290, %concatenate3A : vector<8x256xf32>
    %concatenate3A_292 = tpu.concatenate %dot_general3A_97, %dot_general3A_105, %dot_general3A_113, %dot_general3A_121, %dot_general3A_129, %dot_general3A_137, %dot_general3A_145, %dot_general3A_153 in 0 : vector<1x256xf32>, vector<1x256xf32>, vector<1x256xf32>, vector<1x256xf32>, vector<1x256xf32>, vector<1x256xf32>, vector<1x256xf32>, vector<1x256xf32> -> vector<8x256xf32>
    %add3A_293 = arith.addf %add3A_291, %concatenate3A_292 : vector<8x256xf32>
    %concatenate3A_294 = tpu.concatenate %dot_general3A_161, %dot_general3A_169, %dot_general3A_177, %dot_general3A_185, %dot_general3A_193, %dot_general3A_201, %dot_general3A_209, %dot_general3A_217 in 0 : vector<1x256xf32>, vector<1x256xf32>, vector<1x256xf32>, vector<1x256xf32>, vector<1x256xf32>, vector<1x256xf32>, vector<1x256xf32>, vector<1x256xf32> -> vector<8x256xf32>
    %add3A_295 = arith.addf %add3A_293, %concatenate3A_294 : vector<8x256xf32>
    %concatenate3A_296 = tpu.concatenate %dot_general3A_225, %dot_general3A_233, %dot_general3A_241, %dot_general3A_249, %dot_general3A_257, %dot_general3A_265, %dot_general3A_273, %dot_general3A_281 in 0 : vector<1x256xf32>, vector<1x256xf32>, vector<1x256xf32>, vector<1x256xf32>, vector<1x256xf32>, vector<1x256xf32>, vector<1x256xf32>, vector<1x256xf32> -> vector<8x256xf32>
    %add3A_297 = arith.addf %add3A_295, %concatenate3A_296 : vector<8x256xf32>
    %swap3A_298 = arith.constant 0 : index
    %swap3A_299 = arith.constant 0 : index
    %swap3A_300 = vector.load %arg39[%swap3A_298, %swap3A_299] : memref<8x256xf32, #tpu.memory_space<vmem>>, vector<8x256xf32>
    tpu.vector_store %arg39[%swap3A_298, %swap3A_299], %add3A_297 {strides = array<i32>} : memref<8x256xf32, #tpu.memory_space<vmem>>, vector<8x256xf32>,
    return
  }
  func.func @transform_0(%arg0: i32, %arg1: memref<64xi32, #tpu.memory_space<smem>>) -> (i32, i32) {
    %c0_i32 = arith.constant 0 : i32
    %c0_i32_0 = arith.constant 0 : i32
    %c0_i32_1 = arith.constant 0 : i32
    return %c0_i32, %c0_i32_0 : i32, i32
  }
  func.func @transform_1(%arg0: i32, %arg1: memref<64xi32, #tpu.memory_space<smem>>) -> (i32, i32) {
    %c0_i32 = arith.constant 0 : i32
    %c0_i32_0 = arith.constant 0 : i32
    %c0_i32_1 = arith.constant 0 : i32
    return %c0_i32, %c0_i32_0 : i32, i32
  }
  func.func @transform_2(%arg0: i32, %arg1: memref<64xi32, #tpu.memory_space<smem>>) -> (i32, i32) {
    %c0_i32 = arith.constant 0 : i32
    %c0_i32_0 = arith.constant 0 : i32
    %c0_i32_1 = arith.constant 0 : i32
    return %c0_i32, %c0_i32_0 : i32, i32
  }
  func.func @transform_3(%arg0: i32, %arg1: memref<64xi32, #tpu.memory_space<smem>>) -> (i32, i32, i32) {
    %get3A = arith.constant 0 : index
    %get3A_0 = memref.load %arg1[%get3A] : memref<64xi32, #tpu.memory_space<smem>>
    %c0_i32 = arith.constant 0 : i32
    %c0_i32_1 = arith.constant 0 : i32
    %c0_i32_2 = arith.constant 0 : i32
    return %get3A_0, %c0_i32, %c0_i32_1 : i32, i32, i32
  }
  func.func @transform_4(%arg0: i32, %arg1: memref<64xi32, #tpu.memory_space<smem>>) -> (i32, i32, i32) {
    %get3A = arith.constant 1 : index
    %get3A_0 = memref.load %arg1[%get3A] : memref<64xi32, #tpu.memory_space<smem>>
    %c0_i32 = arith.constant 0 : i32
    %c0_i32_1 = arith.constant 0 : i32
    %c0_i32_2 = arith.constant 0 : i32
    return %get3A_0, %c0_i32, %c0_i32_1 : i32, i32, i32
  }
  func.func @transform_5(%arg0: i32, %arg1: memref<64xi32, #tpu.memory_space<smem>>) -> (i32, i32, i32) {
    %get3A = arith.constant 2 : index
    %get3A_0 = memref.load %arg1[%get3A] : memref<64xi32, #tpu.memory_space<smem>>
    %c0_i32 = arith.constant 0 : i32
    %c0_i32_1 = arith.constant 0 : i32
    %c0_i32_2 = arith.constant 0 : i32
    return %get3A_0, %c0_i32, %c0_i32_1 : i32, i32, i32
  }
  func.func @transform_6(%arg0: i32, %arg1: memref<64xi32, #tpu.memory_space<smem>>) -> (i32, i32, i32) {
    %get3A = arith.constant 3 : index
    %get3A_0 = memref.load %arg1[%get3A] : memref<64xi32, #tpu.memory_space<smem>>
    %c0_i32 = arith.constant 0 : i32
    %c0_i32_1 = arith.constant 0 : i32
    %c0_i32_2 = arith.constant 0 : i32
    return %get3A_0, %c0_i32, %c0_i32_1 : i32, i32, i32
  }
  func.func @transform_7(%arg0: i32, %arg1: memref<64xi32, #tpu.memory_space<smem>>) -> (i32, i32, i32) {
    %get3A = arith.constant 4 : index
    %get3A_0 = memref.load %arg1[%get3A] : memref<64xi32, #tpu.memory_space<smem>>
    %c0_i32 = arith.constant 0 : i32
    %c0_i32_1 = arith.constant 0 : i32
    %c0_i32_2 = arith.constant 0 : i32
    return %get3A_0, %c0_i32, %c0_i32_1 : i32, i32, i32
  }
  func.func @transform_8(%arg0: i32, %arg1: memref<64xi32, #tpu.memory_space<smem>>) -> (i32, i32, i32) {
    %get3A = arith.constant 5 : index
    %get3A_0 = memref.load %arg1[%get3A] : memref<64xi32, #tpu.memory_space<smem>>
    %c0_i32 = arith.constant 0 : i32
    %c0_i32_1 = arith.constant 0 : i32
    %c0_i32_2 = arith.constant 0 : i32
    return %get3A_0, %c0_i32, %c0_i32_1 : i32, i32, i32
  }
  func.func @transform_9(%arg0: i32, %arg1: memref<64xi32, #tpu.memory_space<smem>>) -> (i32, i32, i32) {
    %get3A = arith.constant 6 : index
    %get3A_0 = memref.load %arg1[%get3A] : memref<64xi32, #tpu.memory_space<smem>>
    %c0_i32 = arith.constant 0 : i32
    %c0_i32_1 = arith.constant 0 : i32
    %c0_i32_2 = arith.constant 0 : i32
    return %get3A_0, %c0_i32, %c0_i32_1 : i32, i32, i32
  }
  func.func @transform_10(%arg0: i32, %arg1: memref<64xi32, #tpu.memory_space<smem>>) -> (i32, i32, i32) {
    %get3A = arith.constant 7 : index
    %get3A_0 = memref.load %arg1[%get3A] : memref<64xi32, #tpu.memory_space<smem>>
    %c0_i32 = arith.constant 0 : i32
    %c0_i32_1 = arith.constant 0 : i32
    %c0_i32_2 = arith.constant 0 : i32
    return %get3A_0, %c0_i32, %c0_i32_1 : i32, i32, i32
  }
  func.func @transform_11(%arg0: i32, %arg1: memref<64xi32, #tpu.memory_space<smem>>) -> (i32, i32, i32) {
    %get3A = arith.constant 8 : index
    %get3A_0 = memref.load %arg1[%get3A] : memref<64xi32, #tpu.memory_space<smem>>
    %c0_i32 = arith.constant 0 : i32
    %c0_i32_1 = arith.constant 0 : i32
    %c0_i32_2 = arith.constant 0 : i32
    return %get3A_0, %c0_i32, %c0_i32_1 : i32, i32, i32
  }
  func.func @transform_12(%arg0: i32, %arg1: memref<64xi32, #tpu.memory_space<smem>>) -> (i32, i32, i32) {
    %get3A = arith.constant 9 : index
    %get3A_0 = memref.load %arg1[%get3A] : memref<64xi32, #tpu.memory_space<smem>>
    %c0_i32 = arith.constant 0 : i32
    %c0_i32_1 = arith.constant 0 : i32
    %c0_i32_2 = arith.constant 0 : i32
    return %get3A_0, %c0_i32, %c0_i32_1 : i32, i32, i32
  }
  func.func @transform_13(%arg0: i32, %arg1: memref<64xi32, #tpu.memory_space<smem>>) -> (i32, i32, i32) {
    %get3A = arith.constant 10 : index
    %get3A_0 = memref.load %arg1[%get3A] : memref<64xi32, #tpu.memory_space<smem>>
    %c0_i32 = arith.constant 0 : i32
    %c0_i32_1 = arith.constant 0 : i32
    %c0_i32_2 = arith.constant 0 : i32
    return %get3A_0, %c0_i32, %c0_i32_1 : i32, i32, i32
  }
  func.func @transform_14(%arg0: i32, %arg1: memref<64xi32, #tpu.memory_space<smem>>) -> (i32, i32, i32) {
    %get3A = arith.constant 11 : index
    %get3A_0 = memref.load %arg1[%get3A] : memref<64xi32, #tpu.memory_space<smem>>
    %c0_i32 = arith.constant 0 : i32
    %c0_i32_1 = arith.constant 0 : i32
    %c0_i32_2 = arith.constant 0 : i32
    return %get3A_0, %c0_i32, %c0_i32_1 : i32, i32, i32
  }
  func.func @transform_15(%arg0: i32, %arg1: memref<64xi32, #tpu.memory_space<smem>>) -> (i32, i32, i32) {
    %get3A = arith.constant 12 : index
    %get3A_0 = memref.load %arg1[%get3A] : memref<64xi32, #tpu.memory_space<smem>>
    %c0_i32 = arith.constant 0 : i32
    %c0_i32_1 = arith.constant 0 : i32
    %c0_i32_2 = arith.constant 0 : i32
    return %get3A_0, %c0_i32, %c0_i32_1 : i32, i32, i32
  }
  func.func @transform_16(%arg0: i32, %arg1: memref<64xi32, #tpu.memory_space<smem>>) -> (i32, i32, i32) {
    %get3A = arith.constant 13 : index
    %get3A_0 = memref.load %arg1[%get3A] : memref<64xi32, #tpu.memory_space<smem>>
    %c0_i32 = arith.constant 0 : i32
    %c0_i32_1 = arith.constant 0 : i32
    %c0_i32_2 = arith.constant 0 : i32
    return %get3A_0, %c0_i32, %c0_i32_1 : i32, i32, i32
  }
  func.func @transform_17(%arg0: i32, %arg1: memref<64xi32, #tpu.memory_space<smem>>) -> (i32, i32, i32) {
    %get3A = arith.constant 14 : index
    %get3A_0 = memref.load %arg1[%get3A] : memref<64xi32, #tpu.memory_space<smem>>
    %c0_i32 = arith.constant 0 : i32
    %c0_i32_1 = arith.constant 0 : i32
    %c0_i32_2 = arith.constant 0 : i32
    return %get3A_0, %c0_i32, %c0_i32_1 : i32, i32, i32
  }
  func.func @transform_18(%arg0: i32, %arg1: memref<64xi32, #tpu.memory_space<smem>>) -> (i32, i32, i32) {
    %get3A = arith.constant 15 : index
    %get3A_0 = memref.load %arg1[%get3A] : memref<64xi32, #tpu.memory_space<smem>>
    %c0_i32 = arith.constant 0 : i32
    %c0_i32_1 = arith.constant 0 : i32
    %c0_i32_2 = arith.constant 0 : i32
    return %get3A_0, %c0_i32, %c0_i32_1 : i32, i32, i32
  }
  func.func @transform_19(%arg0: i32, %arg1: memref<64xi32, #tpu.memory_space<smem>>) -> (i32, i32, i32) {
    %get3A = arith.constant 16 : index
    %get3A_0 = memref.load %arg1[%get3A] : memref<64xi32, #tpu.memory_space<smem>>
    %c0_i32 = arith.constant 0 : i32
    %c0_i32_1 = arith.constant 0 : i32
    %c0_i32_2 = arith.constant 0 : i32
    return %get3A_0, %c0_i32, %c0_i32_1 : i32, i32, i32
  }
  func.func @transform_20(%arg0: i32, %arg1: memref<64xi32, #tpu.memory_space<smem>>) -> (i32, i32, i32) {
    %get3A = arith.constant 17 : index
    %get3A_0 = memref.load %arg1[%get3A] : memref<64xi32, #tpu.memory_space<smem>>
    %c0_i32 = arith.constant 0 : i32
    %c0_i32_1 = arith.constant 0 : i32
    %c0_i32_2 = arith.constant 0 : i32
    return %get3A_0, %c0_i32, %c0_i32_1 : i32, i32, i32
  }
  func.func @transform_21(%arg0: i32, %arg1: memref<64xi32, #tpu.memory_space<smem>>) -> (i32, i32, i32) {
    %get3A = arith.constant 18 : index
    %get3A_0 = memref.load %arg1[%get3A] : memref<64xi32, #tpu.memory_space<smem>>
    %c0_i32 = arith.constant 0 : i32
    %c0_i32_1 = arith.constant 0 : i32
    %c0_i32_2 = arith.constant 0 : i32
    return %get3A_0, %c0_i32, %c0_i32_1 : i32, i32, i32
  }
  func.func @transform_22(%arg0: i32, %arg1: memref<64xi32, #tpu.memory_space<smem>>) -> (i32, i32, i32) {
    %get3A = arith.constant 19 : index
    %get3A_0 = memref.load %arg1[%get3A] : memref<64xi32, #tpu.memory_space<smem>>
    %c0_i32 = arith.constant 0 : i32
    %c0_i32_1 = arith.constant 0 : i32
    %c0_i32_2 = arith.constant 0 : i32
    return %get3A_0, %c0_i32, %c0_i32_1 : i32, i32, i32
  }
  func.func @transform_23(%arg0: i32, %arg1: memref<64xi32, #tpu.memory_space<smem>>) -> (i32, i32, i32) {
    %get3A = arith.constant 20 : index
    %get3A_0 = memref.load %arg1[%get3A] : memref<64xi32, #tpu.memory_space<smem>>
    %c0_i32 = arith.constant 0 : i32
    %c0_i32_1 = arith.constant 0 : i32
    %c0_i32_2 = arith.constant 0 : i32
    return %get3A_0, %c0_i32, %c0_i32_1 : i32, i32, i32
  }
  func.func @transform_24(%arg0: i32, %arg1: memref<64xi32, #tpu.memory_space<smem>>) -> (i32, i32, i32) {
    %get3A = arith.constant 21 : index
    %get3A_0 = memref.load %arg1[%get3A] : memref<64xi32, #tpu.memory_space<smem>>
    %c0_i32 = arith.constant 0 : i32
    %c0_i32_1 = arith.constant 0 : i32
    %c0_i32_2 = arith.constant 0 : i32
    return %get3A_0, %c0_i32, %c0_i32_1 : i32, i32, i32
  }
  func.func @transform_25(%arg0: i32, %arg1: memref<64xi32, #tpu.memory_space<smem>>) -> (i32, i32, i32) {
    %get3A = arith.constant 22 : index
    %get3A_0 = memref.load %arg1[%get3A] : memref<64xi32, #tpu.memory_space<smem>>
    %c0_i32 = arith.constant 0 : i32
    %c0_i32_1 = arith.constant 0 : i32
    %c0_i32_2 = arith.constant 0 : i32
    return %get3A_0, %c0_i32, %c0_i32_1 : i32, i32, i32
  }
  func.func @transform_26(%arg0: i32, %arg1: memref<64xi32, #tpu.memory_space<smem>>) -> (i32, i32, i32) {
    %get3A = arith.constant 23 : index
    %get3A_0 = memref.load %arg1[%get3A] : memref<64xi32, #tpu.memory_space<smem>>
    %c0_i32 = arith.constant 0 : i32
    %c0_i32_1 = arith.constant 0 : i32
    %c0_i32_2 = arith.constant 0 : i32
    return %get3A_0, %c0_i32, %c0_i32_1 : i32, i32, i32
  }
  func.func @transform_27(%arg0: i32, %arg1: memref<64xi32, #tpu.memory_space<smem>>) -> (i32, i32, i32) {
    %get3A = arith.constant 24 : index
    %get3A_0 = memref.load %arg1[%get3A] : memref<64xi32, #tpu.memory_space<smem>>
    %c0_i32 = arith.constant 0 : i32
    %c0_i32_1 = arith.constant 0 : i32
    %c0_i32_2 = arith.constant 0 : i32
    return %get3A_0, %c0_i32, %c0_i32_1 : i32, i32, i32
  }
  func.func @transform_28(%arg0: i32, %arg1: memref<64xi32, #tpu.memory_space<smem>>) -> (i32, i32, i32) {
    %get3A = arith.constant 25 : index
    %get3A_0 = memref.load %arg1[%get3A] : memref<64xi32, #tpu.memory_space<smem>>
    %c0_i32 = arith.constant 0 : i32
    %c0_i32_1 = arith.constant 0 : i32
    %c0_i32_2 = arith.constant 0 : i32
    return %get3A_0, %c0_i32, %c0_i32_1 : i32, i32, i32
  }
  func.func @transform_29(%arg0: i32, %arg1: memref<64xi32, #tpu.memory_space<smem>>) -> (i32, i32, i32) {
    %get3A = arith.constant 26 : index
    %get3A_0 = memref.load %arg1[%get3A] : memref<64xi32, #tpu.memory_space<smem>>
    %c0_i32 = arith.constant 0 : i32
    %c0_i32_1 = arith.constant 0 : i32
    %c0_i32_2 = arith.constant 0 : i32
    return %get3A_0, %c0_i32, %c0_i32_1 : i32, i32, i32
  }
  func.func @transform_30(%arg0: i32, %arg1: memref<64xi32, #tpu.memory_space<smem>>) -> (i32, i32, i32) {
    %get3A = arith.constant 27 : index
    %get3A_0 = memref.load %arg1[%get3A] : memref<64xi32, #tpu.memory_space<smem>>
    %c0_i32 = arith.constant 0 : i32
    %c0_i32_1 = arith.constant 0 : i32
    %c0_i32_2 = arith.constant 0 : i32
    return %get3A_0, %c0_i32, %c0_i32_1 : i32, i32, i32
  }
  func.func @transform_31(%arg0: i32, %arg1: memref<64xi32, #tpu.memory_space<smem>>) -> (i32, i32, i32) {
    %get3A = arith.constant 28 : index
    %get3A_0 = memref.load %arg1[%get3A] : memref<64xi32, #tpu.memory_space<smem>>
    %c0_i32 = arith.constant 0 : i32
    %c0_i32_1 = arith.constant 0 : i32
    %c0_i32_2 = arith.constant 0 : i32
    return %get3A_0, %c0_i32, %c0_i32_1 : i32, i32, i32
  }
  func.func @transform_32(%arg0: i32, %arg1: memref<64xi32, #tpu.memory_space<smem>>) -> (i32, i32, i32) {
    %get3A = arith.constant 29 : index
    %get3A_0 = memref.load %arg1[%get3A] : memref<64xi32, #tpu.memory_space<smem>>
    %c0_i32 = arith.constant 0 : i32
    %c0_i32_1 = arith.constant 0 : i32
    %c0_i32_2 = arith.constant 0 : i32
    return %get3A_0, %c0_i32, %c0_i32_1 : i32, i32, i32
  }
  func.func @transform_33(%arg0: i32, %arg1: memref<64xi32, #tpu.memory_space<smem>>) -> (i32, i32, i32) {
    %get3A = arith.constant 30 : index
    %get3A_0 = memref.load %arg1[%get3A] : memref<64xi32, #tpu.memory_space<smem>>
    %c0_i32 = arith.constant 0 : i32
    %c0_i32_1 = arith.constant 0 : i32
    %c0_i32_2 = arith.constant 0 : i32
    return %get3A_0, %c0_i32, %c0_i32_1 : i32, i32, i32
  }
  func.func @transform_34(%arg0: i32, %arg1: memref<64xi32, #tpu.memory_space<smem>>) -> (i32, i32, i32) {
    %get3A = arith.constant 31 : index
    %get3A_0 = memref.load %arg1[%get3A] : memref<64xi32, #tpu.memory_space<smem>>
    %c0_i32 = arith.constant 0 : i32
    %c0_i32_1 = arith.constant 0 : i32
    %c0_i32_2 = arith.constant 0 : i32
    return %get3A_0, %c0_i32, %c0_i32_1 : i32, i32, i32
  }
  func.func @transform_35(%arg0: i32, %arg1: memref<64xi32, #tpu.memory_space<smem>>) -> (i32, i32) {
    %c0_i32 = arith.constant 0 : i32
    %c0_i32_0 = arith.constant 0 : i32
    %c0_i32_1 = arith.constant 0 : i32
    return %c0_i32, %c0_i32_0 : i32, i32
  }
  func.func @transform_36(%arg0: i32, %arg1: memref<64xi32, #tpu.memory_space<smem>>) -> (i32, i32) {
    %c0_i32 = arith.constant 0 : i32
    %c0_i32_0 = arith.constant 0 : i32
    %c0_i32_1 = arith.constant 0 : i32
    return %c0_i32, %c0_i32_0 : i32, i32
  }
  func.func @transform_37(%arg0: i32, %arg1: memref<64xi32, #tpu.memory_space<smem>>) -> (i32, i32) {
    %c0_i32 = arith.constant 0 : i32
    %c0_i32_0 = arith.constant 0 : i32
    %c0_i32_1 = arith.constant 0 : i32
    return %c0_i32, %c0_i32_0 : i32, i32
  }
  func.func @transform_38(%arg0: i32, %arg1: memref<64xi32, #tpu.memory_space<smem>>) -> (i32, i32) {
    %c0_i32 = arith.constant 0 : i32
    %c0_i32_0 = arith.constant 0 : i32
    %c0_i32_1 = arith.constant 0 : i32
    return %c0_i32, %c0_i32_0 : i32, i32
  }
}

</mosaic_0001>

<sc_bundles>
// kernel: kernel.5.cloned.1.call-start
scs
__scs_entry_jumppad:
0x0: {  	(pc) =	sbr.rel $0x88, $3  }
0x1: {  	(tag) =	ssettag $0x0;
	lr =	simm.s32 $0x1  }
0x2: {  	[smem:$0x3F97] =	sst lr;
	_ =	strace $0xD0000000  }
0x3: {  	_ = 	snop  }
0x4: {  	_ = 	snop  }
0x5: {  	_ = 	snop  }
0x6: {  	_ = 	snop  }
0x7: {  	_ = 	snop  }
__scs_overlays_trampoline_lowered:
0x8: {  	[smem:$0x3FA6] =	sst s0  }
0x9: {  	[smem:$0x3FA7] =	sst s1  }
0xa: {  	[smem:$0x3FA8] =	sst s2  }
0xb: {  	[smem:$0x3FA9] =	sst s3  }
0xc: {  	[smem:$0x3FAA] =	sst s4  }
0xd: {  	[smem:$0x3FAB] =	sst s5  }
0xe: {  	[smem:$0x3FAC] =	sst s6  }
0xf: {  	[smem:$0x3FAD] =	sst s7  }
0x10: {  	[smem:$0x3FAE] =	sst s8  }
0x11: {  	[smem:$0x3FAF] =	sst s9;
	s0 =	simm.s32 @!p0 $0x0  }
0x12: {  	s1 =	sld [smem:$0x3F95];
	s0 =	simm.s32 @p0 $0x1  }
0x13: {  	[smem:$0x3FB0] =	sst s0;
	s0 =	simm.s32 @!p1 $0x0  }
0x14: {  	s2 =	sld [smem:$0x3F94];
	s0 =	simm.s32 @p1 $0x1  }
0x15: {  	[smem:$0x3FB1] =	sst s0;
	s0 =	simm.s32 @!p2 $0x0  }
0x16: {  	s3 =	sld [smem:$0x3FDB];
	s0 =	simm.s32 @p2 $0x1  }
0x17: {  	s4 =	simm.s32 $0x1BF5;
	[smem:$0x3FB3] =	sst s0  }
0x18: {  	s0 =	sld [smem:$0x3F96];
	_ =	swait.ge [sflag:s4], $0x0  }
0x19: {  	s7 =	sld [smem:$0x3F97]  }
0x1a: {  	s8 =	sadd.s32 $0xFFFFE003, lr  }
0x1b: {  	s9 =	sadd.s32 $0xFFFFFEF7, lr;
	s5 =	simm.s32 $0xFFFFFFFF;
	p2 =	slt.u32 s8, $0xFFFFF086  }
0x1c: {  	p1 =	slt.u32 s9, $0xF7A;
	s5 =	simm.s32 @!p2 $0x0  }
0x1d: {  	s5 =	simm.s32 @p1 $0x1;
	p0 =	seq.s32 s7, s2  }
0x1e: {  	s7 =	smul.u32 @!p0 $0xF7A, s2;
	p2 =	seq.s32 @!p0 s5, $0x0  }
0x1f: {  	s9 =	smul.u32 $0xF7A, s1;
	s8 =	simm.s32 @!p0 $0x1BF5;
	p2 =	por !p2, p0  }
0x20: {  	[sflag:s8] =	ssyncset.s32 @!p0 $0xFFFFF086;
	s6 =	sadd.s32 @!p0 s3, s7;
	s7 =	simm.s32 @!p0 $0x108  }
0x21: {  	s3 =	sadd.s32 s3, s9;
	s6 =	sadd.s32 @!p0 $0x88, s6;
	s7 =	simm.s32 @p2 $0x1082  }
0x22: {  	[simem:s7], [sflag:s8] =	dma.local @!p0 [hbm:s6], $0xF7A  }
0x23: {  	s9 =	sor.u32 $0xD0000000, s2;
	s6 =	simm.s32 $0x108;
	_ =	swait.ge @!p0 [sflag:s8], $0x0  }
0x24: {  	s3 =	sadd.s32 $0x88, s3;
	s6 =	simm.s32 @!p1 $0x1082;
	[sflag:s4] =	ssyncset.s32 $0xFFFFF086  }
0x25: {  	[simem:s6], [sflag:s4] =	dma.local [hbm:s3], $0xF7A  }
0x26: {  	[smem:$0x3F97] =	sst s1;
	(tag) =	ssettag s2;
	_ =	strace s9  }
0x27: {  	s1 =	sld [smem:$0x3FA7]  }
0x28: {  	s2 =	sld [smem:$0x3FA8]  }
0x29: {  	s4 =	sld [smem:$0x3FAA]  }
0x2a: {  	p0 =	seq.s32 s5, $0x0;
	s5 =	sld [smem:$0x3FAB]  }
0x2b: {  	s6 =	sld [smem:$0x3FAC]  }
0x2c: {  	s7 =	sld [smem:$0x3FAD]  }
0x2d: {  	s3 =	simm.s32 $0x108;
	s8 =	sld [smem:$0x3FAE]  }
0x2e: {  	s3 =	simm.s32 @!p0 $0x1082;
	s9 =	sld [smem:$0x3FAF]  }
0x2f: {  	lr =	sadd.s32 s0, s3;
	s0 =	sld [smem:$0x3FA6]  }
0x30: {  	s3 =	sld [smem:$0x3FA9]  }
0x31: {  	[smem:$0x3FB2] =	sst s10  }
0x32: {  	s10 =	sld [smem:$0x3FB0];
	_ =	sdelay $0x3  }
0x33: {  	p0 =	seq.s32 s10, $0x1;
	s10 =	sld [smem:$0x3FB2];
	_ =	sdelay $0x3  }
0x34: {  	[smem:$0x3FB2] =	sst s10  }
0x35: {  	s10 =	sld [smem:$0x3FB1];
	_ =	sdelay $0x3  }
0x36: {  	p1 =	seq.s32 s10, $0x1;
	s10 =	sld [smem:$0x3FB2];
	_ =	sdelay $0x3  }
0x37: {  	[smem:$0x3FB2] =	sst s10  }
0x38: {  	s10 =	sld [smem:$0x3FB3]  }
0x39: {  	_ = 	snop;
	(pc) =	sbr.ind lr, $3  }
0x3a: {  	_ = 	snop  }
0x3b: {  	_ = 	snop  }
0x3c: {  	p2 =	seq.s32 s10, $0x1;
	s10 =	sld [smem:$0x3FB2]  }
0x3d: {  	_ =	shalt  }
0x3e: {  	_ =	shalt  }
0x3f: {  	_ =	shalt  }
0x40: {  	_ =	shalt  }
0x41: {  	_ =	shalt  }
0x42: {  	_ =	shalt  }
0x43: {  	_ =	shalt  }
0x44: {  	_ =	shalt  }
0x45: {  	_ =	shalt  }
0x46: {  	_ =	shalt  }
0x47: {  	_ =	shalt  }
0x48: {  	_ =	shalt  }
0x49: {  	_ =	shalt  }
0x4a: {  	_ =	shalt  }
0x4b: {  	_ =	shalt  }
0x4c: {  	_ =	shalt  }
0x4d: {  	_ =	shalt  }
0x4e: {  	_ =	shalt  }
0x4f: {  	_ =	shalt  }
0x50: {  	_ =	shalt  }
0x51: {  	_ =	shalt  }
0x52: {  	_ =	shalt  }
0x53: {  	_ =	shalt  }
0x54: {  	_ =	shalt  }
0x55: {  	_ =	shalt  }
0x56: {  	_ =	shalt  }
0x57: {  	_ =	shalt  }
0x58: {  	_ =	shalt  }
0x59: {  	_ =	shalt  }
0x5a: {  	_ =	shalt  }
0x5b: {  	_ =	shalt  }
0x5c: {  	_ =	shalt  }
0x5d: {  	_ =	shalt  }
0x5e: {  	_ =	shalt  }
0x5f: {  	_ =	shalt  }
0x60: {  	_ =	shalt  }
0x61: {  	_ =	shalt  }
0x62: {  	_ =	shalt  }
0x63: {  	_ =	shalt  }
0x64: {  	_ =	shalt  }
0x65: {  	_ =	shalt  }
0x66: {  	_ =	shalt  }
0x67: {  	_ =	shalt  }
0x68: {  	_ =	shalt  }
0x69: {  	_ =	shalt  }
0x6a: {  	_ =	shalt  }
0x6b: {  	_ =	shalt  }
0x6c: {  	_ =	shalt  }
0x6d: {  	_ =	shalt  }
0x6e: {  	_ =	shalt  }
0x6f: {  	_ =	shalt  }
0x70: {  	_ =	shalt  }
0x71: {  	_ =	shalt  }
0x72: {  	_ =	shalt  }
0x73: {  	_ =	shalt  }
0x74: {  	_ =	shalt  }
0x75: {  	_ =	shalt  }
0x76: {  	_ =	shalt  }
0x77: {  	_ =	shalt  }
0x78: {  	_ =	shalt  }
0x79: {  	_ =	shalt  }
0x7a: {  	_ =	shalt  }
0x7b: {  	_ =	shalt  }
0x7c: {  	_ =	shalt  }
0x7d: {  	_ =	shalt  }
0x7e: {  	_ =	shalt  }
0x7f: {  	_ =	shalt  }
0x80: {  	_ =	shalt  }
0x81: {  	_ =	shalt  }
0x82: {  	_ =	shalt  }
0x83: {  	_ =	shalt  }
0x84: {  	_ =	shalt  }
0x85: {  	_ =	shalt  }
0x86: {  	_ =	shalt  }
0x87: {  	_ =	shalt  }
.Lfunc_end0:
.L_simem_size_0:
called_computation_lowered:
.L_overlay_start_0:
0x88: {  	s2 =	sld [smem:$0x3FD9]  }
0x89: {  	s3 =	sld [smem:$0x3FFE];
	_ =	sdelay $0x1  }
0x8a: {  	s1 =	srdreg.scid  }
0x8b: {  	s0 =	sand.u32 $0x1, s1  }
0x8c: {  	s17 =	sshll.u32 s0, $0xA;
	s2 =	sadd.s32 s3, s2  }
0x8d: {  	s2 =	sadd.s32 s2, s17  }
0x8e: {  	[smem:$0x3FBE] =	sst s2  }
0x8f: {  	_ = 	snop  }
0x90: {  	s2 =	sld [smem:$0x3FC9]  }
0x91: {  	s18 =	sld [smem:$0x3FC5]  }
0x92: {  	s4 =	sld [smem:$0x3FD0];
	(tm) =	ssettm $0x1  }
0x93: {  	s5 =	sld [smem:$0x3FFB];
	_ =	sdelay $0x3  }
0x94: {  	_ =	strace s5  }
0x95: {  	s5 =	sld [smem:$0x3FFC];
	_ =	sdelay $0x3  }
0x96: {  	_ =	strace s5  }
0x97: {  	s5 =	sld [smem:$0x3FFD];
	_ =	sdelay $0x3  }
0x98: {  	_ =	strace s5  }
0x99: {  	_ =	strace $0x8FFFFFFF  }
0x9a: {  	s19 =	sld [smem:$0x3FDB];
	_ =	sdelay $0x1  }
0x9b: {  	s6 =	simm.s32 $_scs_section_size  }
0x9c: {  	s7 =	simm.s32 $_size__tile_overlayer_lowered;
	s8 =	simm.s32 $_tile_overlayer_lowered  }
0x9d: {  	s22 =	simm.s32 $0x1BFF;
	s21 =	sshll.u32 s8, $0x1;
	s5 =	sadd.s32 s6, s19  }
0x9e: {  	s9 =	simm.s32 $0x0;
	s20 =	sshll.u32 s7, $0x1;
	s7 =	sadd.s32 s21, s5  }
0x9f: {  	[timem:s9], [sflag:s22] =	dma.local [hbm:s7], s20  }
0xa0: {  	_ =	swait.ge [sflag:s22], s20  }
0xa1: {  	s6 =	ssub.s32 $0x0, s20;
	[sflag:s22] =	ssyncset.done $0x0  }
0xa2: {  	[sflag:s22] =	ssyncadd.s32 s6;
	_ =	sdelay $0x1  }
0xa3: {  	s23 =	simm.s32 $0x1B8B  }
0xa4: {  	_ =	swait.ge [sflag:s23], $0x1  }
0xa5: {  	[sflag:s23] =	ssyncset.done $0x0  }
0xa6: {  	s25 =	simm.s32 $0x1B8E;
	s24 =	sld [smem:$0x3FFE];
	[sflag:s23] =	ssyncadd.s32 $0xFFFFFFFF  }
0xa7: {  	s26 =	simm.s32 $execute0_lowered;
	[smem:$0x3FD2] =	sst s25  }
0xa8: {  	s7 =	sshll.u32 s26, $0x1;
	_ =	strace $0x80000046;
	[dreg:$0x1] =	wrdreg $0xFFFFFFFF  }
0xa9: {  	s28 =	simm.s32 $_size_execute0_lowered;
	s5 =	sadd.s32 s5, s7;
	[dreg:$0x0] =	wrdreg $0x0  }
0xaa: {  	s7 =	sshll.u32 s28, $0x1;
	[dreg:$0x2] =	wrdreg s5  }
0xab: {  	[dreg:$0x3] =	wrdreg s7  }
0xac: {  	[dreg:$0x4] =	wrdreg $0xC0  }
0xad: {  	_ =	task [dreg:s9], $0x5FFFF  }
0xae: {  	[dreg:$0x1] =	wrdreg $0xFFFFFFFF  }
0xaf: {  	[dreg:$0x0] =	wrdreg $0x60  }
0xb0: {  	[dreg:$0x2] =	wrdreg s4  }
0xb1: {  	[dreg:$0x3] =	wrdreg s18  }
0xb2: {  	[dreg:$0x4] =	wrdreg s2  }
0xb3: {  	[dreg:$0x5] =	wrdreg s24  }
0xb4: {  	[dreg:$0x6] =	wrdreg $0x9  }
0xb5: {  	_ =	task.clear_ibuf [dreg:s9], $0x7FFFF;
	_ =	strace $0x90000046  }
0xb6: {  	s29 =	simm.s32 $0x9;
	_ =	strace $0x80000048  }
0xb7: {  	_ =	swait.ge [sflag:s29], $0x1  }
0xb8: {  	[sflag:s29] =	ssyncadd.s32 $0xFFFFFFFF  }
0xb9: {  	_ =	strace $0x90000048  }
0xba: {  	_ =	sfence  }
0xbb: {  	s30 =	sld [smem:$0x0];
	_ =	sdelay $0x2  }
0xbc: {  	s31 =	sshll.u32 s1, $0xD;
	s1 =	sshrl.u32 s1, $0x2  }
0xbd: {  	s3 =	sand.u32 $0x4000, s31;
	s1 =	sadd.s32 s1, s30  }
0xbe: {  	s0 =	sor.u32 s3, s0;
	s1 =	sshll.u32 s1, $0x11  }
0xbf: {  	s0 =	sor.u32 s1, s0  }
0xc0: {  	s0 =	sadd.s32 $0x8F2B, s0  }
0xc1: {  	[sflag:s0] =	ssyncadd.remote.s32 $0x1  }
0xc2: {  	_ =	sfence.sel $0xFFFF  }
0xc3: {  	[dreg:$0x0] =	wrdreg $0xFFFFFFFF;
	(pc) =	sbr.abs _section_cstart, $3  }
0xc4: {  	[dreg:$0x1] =	wrdreg $0xFFFFFFFF  }
0xc5: {  	_ =	task.clear_ibuf [dreg:s9], $0x2FFFF;
	_ =	strace $0x9FFFFFFF  }
0xc6: {  	(tm) =	ssettm $0x7FFFFFFF  }
0xc7: {  	_ =	shalt  }
tec
execute0_lowered:
.L_overlay_start_1:
0x0: {  	(tag) =	ssettag $0x1  }
0x1: {  	s4 =	rddreg [dreg:$0x0]  }
0x2: {  	s2 =	rddreg [dreg:$0x1]  }
0x3: {  	s5 =	rddreg [dreg:$0x2]  }
0x4: {  	s6 =	rddreg [dreg:$0x3];
	s3 =	srdreg.scid  }
0x5: {  	s1 =	stileid.u32;
	s0 =	rddreg [dreg:$0x4]  }
0x6: {  	s11 =	simm.s32 $0x400;
	s12 =	simm.s32 $0x10080;
	s13 =	simm.s32 $0x10180  }
0x7: {  	s14 =	simm.s32 $0x0;
	s7 =	sand.u32 $0x1, s3;
	s26 =	sshll.u32 s1, $0x8  }
0x8: {  	s8 =	sshrl.u32 s1, $0x2;
	s3 =	simm.s32 $0x0;
	s29 =	sshll.u32 s1, $0x2  }
0x9: {  	s9 =	sshll.u32 s7, $0x7;
	s10 =	sand.u32 $0x300, s26;
	s28 =	sshll.u32 s8, $0xB  }
0xa: {  	[smem:$0x7FF] =	sst s3;
	s8 =	sshll.u32 s8, $0xA;
	s7 =	ssub.s32 $0x2, s7  }
0xb: {  	s30 =	sand.u32 $0x30, s29;
	s9 =	sor.u32 s9, s10;
	_ =	strace $0x80000047  }
0xc: {  	s31 =	sshrl.u32 s7, $0x1;
	s5 =	sadd.s32 s30, s5;
	s10 =	sor.u32 s28, s9  }
0xd: {  	s8 =	sor.u32 s8, s9;
	s7 =	ssub.s32 s7, s31;
	s5 =	sadd.s32 $0x40, s5  }
0xe: {  	s9 =	simm.s32 $0x80;
	s10 =	sshrl.u32 s10, $0x3;
	s8 =	sshrl.u32 s8, $0x3  }
0xf: {  	s7 =	smax.u32 s7, $0x1;
	s6 =	sadd.s32 s10, s6;
	s4 =	sadd.s32 s4, s8  }
0x10: {  	vm0 =	vmmov $0x1;
	v0 =	vlaneseq.u32;
	s8 =	simm.s32 $0x2;
	s10 =	simm.s32 $0x1;
	s6 =	sadd.s32 $0x1600, s6  }
.LBB2_1:
0x11: {  	[tilespmem:s3], [sflag:$0x2] =	stream.linear.gather [hbm4b:s4+s3], $0x80, $0x38;
	[tilespmem:$0x10280] =	vst v63  }
0x12: {  	_ =	swait.ge [sflag:s8], $0x80  }
0x13: {  	[sflag:s8] =	ssyncset.done $0x0  }
0x14: {  	[sflag:s8] =	ssyncadd.s32 $0xFFFFFF80  }
0x15: {  	v1 =	vld.msk [tilespmem:$0x0], $0x1;
	_ =	sdelay $0x4  }
0x16: {  	v1 =	vshll.u32 v1, $0x10  }
0x17: {  	v1 =	vperm.xlane v1, v0;
	_ =	sdelay $0x5  }
0x18: {  	[tilespmem:s9], [sflag:$0x1] =	stream.indirect_vreg.gather [hbm4b:s2+s3], $0x10000, v1, vm0, $0x38;
	[tilespmem:$0x10280] =	vst v63  }
0x19: {  	_ =	swait.ge [sflag:s10], $0x10000  }
0x1a: {  	[sflag:s10] =	ssyncset.done $0x0  }
0x1b: {  	v1 =	vmov s3;
	[sflag:s10] =	ssyncadd.s32 $0xFFFF0000  }
0x1c: {  	[tilespmem:s12], [sflag:$0x2] =	stream.strided.gather [hbm4b:s5+s9], $0x100, s11, s9, $0x38;
	[tilespmem:$0x10280] =	vst v63  }
0x1d: {  	_ =	swait.ge [sflag:s8], $0x100  }
0x1e: {  	[sflag:s8] =	ssyncset.done $0x0  }
0x1f: {  	s15 =	sand.u32 $0xF800, s3;
	s16 =	sand.u32 $0x380, s3;
	[sflag:s8] =	ssyncadd.s32 $0xFFFFFF00  }
0x20: {  	s15 =	sor.u32 s16, s15;
	v2 =	vld.idx.msk [tilespmem:v1+s12+$0x0], $0xffff  }
0x21: {  	v1 =	vld [tilespmem:s15+$0x4F0]  }
0x22: {  	v3 =	vld [tilespmem:s15+$0x80]  }
0x23: {  	v4 =	vld [tilespmem:s15+$0x90]  }
0x24: {  	v5 =	vld [tilespmem:s15+$0xA0]  }
0x25: {  	v9 =	vld [tilespmem:s15+$0xC0]  }
0x26: {  	v10 =	vld [tilespmem:s15+$0xD0]  }
0x27: {  	v12 =	vimm.f32 $0.0e+00;
	v16 =	vimm.f32 $0.0e+00;
	v17 =	vimm.f32 $0.0e+00;
	v6 =	vld [tilespmem:s15+$0xB0]  }
0x28: {  	v15 =	vimm.f32 $0.0e+00;
	v14 =	vimm.f32 $0.0e+00;
	v1 =	vmul.f32 v1, v2  }
0x29: {  	s31 =	simm.s32 $0x1;
	v13 =	vimm.f32 $0.0e+00;
	v3 =	vmul.f32 v3, v2;
	v4 =	vmul.f32 v4, v2  }
0x2a: {  	v23 =	vmov s31;
	v20 =	vld [tilespmem:s15+$0xE0];
	v5 =	vmul.f32 v5, v2;
	v24 =	vmul.f32 v9, v2  }
0x2b: {  	v22 =	vld [tilespmem:s15+$0xF0];
	v25 =	vmul.f32 v10, v2;
	v10 =	vimm.f32 $0.0e+00;
	v1 =	vadd.f32 v1, v12  }
0x2c: {  	v21 =	vld [tilespmem:s15+$0x480];
	v11 =	vadd.f32 v3, v12;
	v8 =	vadd.f32 v4, v12;
	v3 =	vmul.f32 v6, v2  }
0x2d: {  	v19 =	vld [tilespmem:s15+$0x490];
	v7 =	vadd.f32 v5, v12;
	v6 =	vimm.f32 $0.0e+00;
	v5 =	vimm.f32 $0.0e+00  }
0x2e: {  	s18 =	simm.s32 $0x2;
	s17 =	simm.s32 $0x0;
	s16 =	simm.s32 $0x0;
	v18 =	vld [tilespmem:s15+$0x4A0];
	v4 =	vimm.f32 $0.0e+00;
	v9 =	vadd.f32 v3, v12;
	v3 =	vimm.f32 $0.0e+00  }
.LBB2_2:
0x2f: {  	p0 =	sne.s32 s18, $0xFF;
	v12 =	vadd.f32 v24, v12;
	v20 =	vmul.f32 v20, v2;
	v24 =	vld [tilespmem:s15+$0x4B0]  }
0x30: {  	v16 =	vadd.f32 v25, v16;
	v22 =	vmul.f32 v22, v2;
	v25 =	vld [tilespmem:s15+$0x4C0]  }
0x31: {  	s16 =	sadd.s32 $0x80, s16;
	s17 =	sadd.s32 $0x100, s17;
	v17 =	vadd.f32 v20, v17;
	v20 =	vmul.f32 v21, v2;
	v21 =	vld [tilespmem:s15+$0x4D0]  }
0x32: {  	s19 =	sand.u32 $0xF800, s17;
	s20 =	sand.u32 $0x380, s16;
	v15 =	vadd.f32 v22, v15;
	v19 =	vmul.f32 v19, v2;
	v22 =	vld [tilespmem:s15+$0x4E0]  }
0x33: {  	s15 =	sor.u32 s20, s19;
	v23 =	vld.idx.msk [tilespmem:v23+s12+$0x0], $0xffff;
	v14 =	vadd.f32 v20, v14;
	v18 =	vmul.f32 v18, v2  }
0x34: {  	v20 =	vld [tilespmem:s15+$0x4F0];
	v13 =	vadd.f32 v19, v13;
	v19 =	vmul.f32 v24, v2  }
0x35: {  	v24 =	vld [tilespmem:s15+$0x80];
	v10 =	vadd.f32 v18, v10;
	v18 =	vmul.f32 v25, v2  }
0x36: {  	v25 =	vld [tilespmem:s15+$0x90];
	v6 =	vadd.f32 v19, v6;
	v19 =	vmul.f32 v21, v2  }
0x37: {  	v21 =	vld [tilespmem:s15+$0xA0];
	v5 =	vadd.f32 v18, v5;
	v26 =	vmul.f32 v22, v2  }
0x38: {  	v18 =	vld [tilespmem:s15+$0xB0];
	v4 =	vadd.f32 v19, v4  }
0x39: {  	v2 =	vmov v23;
	v19 =	vld [tilespmem:s15+$0xC0];
	v22 =	vmul.f32 v20, v23;
	v3 =	vadd.f32 v26, v3  }
0x3a: {  	v23 =	vmul.f32 v24, v2;
	v26 =	vld [tilespmem:s15+$0xD0]  }
.Ltmp0:
0x3b: {  	v24 =	vmul.f32 v25, v2;
	v20 =	vld [tilespmem:s15+$0xE0];
	v1 =	vadd.f32 v22, v1;
	(pc) =	sbr.rel @p0 .LBB2_2-.Ltmp0, $4  }
0x3c: {  	v11 =	vadd.f32 v23, v11;
	v23 =	vmul.f32 v21, v2;
	v22 =	vld [tilespmem:s15+$0xF0]  }
0x3d: {  	v8 =	vadd.f32 v24, v8;
	v18 =	vmul.f32 v18, v2;
	v21 =	vld [tilespmem:s15+$0x480]  }
0x3e: {  	v7 =	vadd.f32 v23, v7;
	v24 =	vmul.f32 v19, v2;
	v19 =	vld [tilespmem:s15+$0x490]  }
0x3f: {  	v23 =	vmov s18;
	s18 =	sadd.s32 $0x1, s18;
	v9 =	vadd.f32 v18, v9;
	v25 =	vmul.f32 v26, v2;
	v18 =	vld [tilespmem:s15+$0x4A0]  }
0x40: {  	v26 =	vld [tilespmem:s15+$0x4B0]  }
0x41: {  	v27 =	vld [tilespmem:s15+$0x4C0]  }
0x42: {  	v28 =	vld [tilespmem:s15+$0x4D0];
	s16 =	sadd.s32 $0x80, s16;
	s17 =	sadd.s32 $0x100, s17  }
0x43: {  	v29 =	vld [tilespmem:s15+$0x4E0];
	s17 =	sand.u32 $0xF800, s17;
	s16 =	sand.u32 $0x380, s16  }
0x44: {  	v23 =	vld.idx.msk [tilespmem:v23+s12+$0x0], $0xffff;
	s31 =	sor.u32 s16, s17  }
0x45: {  	v30 =	vld [tilespmem:s31+$0x4F0]  }
0x46: {  	v31 =	vld [tilespmem:s31+$0x80]  }
0x47: {  	v32 =	vld [tilespmem:s31+$0x90]  }
0x48: {  	v33 =	vld [tilespmem:s31+$0xA0]  }
0x49: {  	v34 =	vld [tilespmem:s31+$0xB0]  }
0x4a: {  	v35 =	vld [tilespmem:s31+$0xC0]  }
0x4b: {  	v36 =	vld [tilespmem:s31+$0xD0]  }
0x4c: {  	v37 =	vld [tilespmem:s31+$0xE0]  }
0x4d: {  	v38 =	vld [tilespmem:s31+$0xF0]  }
0x4e: {  	v20 =	vmul.f32 v20, v2;
	v39 =	vld [tilespmem:s31+$0x480]  }
0x4f: {  	v12 =	vadd.f32 v24, v12;
	v22 =	vmul.f32 v22, v2;
	v16 =	vadd.f32 v25, v16;
	v40 =	vld [tilespmem:s31+$0x490]  }
0x50: {  	v17 =	vadd.f32 v20, v17;
	v21 =	vmul.f32 v21, v2;
	v59 =	vld [tilespmem:s31+$0x4A0];
	v60 =	vmul.f32 v31, v23  }
0x51: {  	v61 =	vld [tilespmem:s31+$0x4B0];
	v15 =	vadd.f32 v22, v15;
	v19 =	vmul.f32 v19, v2;
	v62 =	vmul.f32 v32, v23  }
0x52: {  	v63 =	vld [tilespmem:s31+$0x4C0];
	v46 =	vmul.f32 v18, v2;
	v41 =	vmul.f32 v33, v23;
	v11 =	vadd.f32 v60, v11  }
0x53: {  	v42 =	vld [tilespmem:s31+$0x4D0];
	v13 =	vadd.f32 v19, v13;
	v43 =	vmul.f32 v34, v23;
	v8 =	vadd.f32 v62, v8  }
0x54: {  	v44 =	vld [tilespmem:s31+$0x4E0];
	v48 =	vmul.f32 v26, v2;
	v47 =	vmul.f32 v36, v23;
	v7 =	vadd.f32 v41, v7;
	[tilespmem:$0x10180] =	vst v11  }
0x55: {  	v56 =	vmul.f32 v28, v2;
	v49 =	vmul.f32 v37, v23;
	v9 =	vadd.f32 v43, v9;
	[tilespmem:$0x10190] =	vst v8  }
0x56: {  	v6 =	vadd.f32 v48, v6;
	v55 =	vmul.f32 v40, v23;
	v50 =	vadd.f32 v47, v16;
	[tilespmem:$0x101A0] =	vst v7  }
0x57: {  	v57 =	vmul.f32 v59, v23;
	v59 =	vmul.f32 v61, v23;
	v52 =	vadd.f32 v49, v17;
	[tilespmem:$0x101B0] =	vst v9  }
0x58: {  	v4 =	vadd.f32 v56, v4;
	v61 =	vmul.f32 v42, v23;
	v58 =	vadd.f32 v55, v13;
	[tilespmem:$0x101D0] =	vst v50  }
0x59: {  	v54 =	vmul.f32 v27, v2;
	v45 =	vmul.f32 v35, v23;
	v6 =	vadd.f32 v59, v6;
	[tilespmem:$0x101E0] =	vst v52  }
0x5a: {  	v2 =	vmul.f32 v29, v2;
	v51 =	vmul.f32 v38, v23;
	v4 =	vadd.f32 v61, v4;
	[tilespmem:$0x10210] =	vst v58  }
0x5b: {  	v5 =	vadd.f32 v54, v5;
	v60 =	vmul.f32 v63, v23;
	v11 =	vadd.f32 v45, v12;
	[tilespmem:$0x10230] =	vst v6  }
0x5c: {  	v2 =	vadd.f32 v2, v3;
	v62 =	vmul.f32 v44, v23;
	v9 =	vadd.f32 v51, v15;
	[tilespmem:$0x10250] =	vst v4  }
0x5d: {  	v63 =	vmul.f32 v30, v23;
	v3 =	vadd.f32 v60, v5;
	[tilespmem:$0x101C0] =	vst v11  }
0x5e: {  	v14 =	vadd.f32 v21, v14;
	v53 =	vmul.f32 v39, v23;
	v2 =	vadd.f32 v62, v2;
	[tilespmem:$0x101F0] =	vst v9  }
0x5f: {  	v8 =	vadd.f32 v46, v10;
	v1 =	vadd.f32 v63, v1;
	[tilespmem:$0x10240] =	vst v3  }
0x60: {  	v11 =	vadd.f32 v53, v14;
	[tilespmem:$0x10260] =	vst v2  }
0x61: {  	s14 =	sadd.s32 $0x1, s14;
	v8 =	vadd.f32 v57, v8;
	[tilespmem:$0x10270] =	vst v1  }
0x62: {  	p0 =	sne.s32 s14, s7;
	[tilespmem:$0x10200] =	vst v11  }
.Ltmp1:
0x63: {  	[tilespmem:$0x10220] =	vst v8;
	(pc) =	sbr.rel @p0 .LBB2_1-.Ltmp1, $4  }
0x64: {  	[hbm4b:s6+s9] =	stream.strided.scatter [tilespmem:s13], [sflag:$0x2], $0x100, s11, s9, $0x38;
	[tilespmem:$0x10280] =	vst v63  }
0x65: {  	_ =	swait.ge [sflag:s8], $0x100  }
0x66: {  	[sflag:s8] =	ssyncset.done $0x0  }
0x67: {  	[sflag:s8] =	ssyncadd.s32 $0xFFFFFF00  }
0x68: {  	_ =	sfence.sel $0x180000  }
0x69: {  	[bflag:$0x0] =	sbarrier.arrive $0xFFFF  }
0x6a: {  	p0 =	sne.s32 s1, $0x0;
	_ =	strace $0x90000047  }
0x6b: {  	s0 =	sadd.s32 @!p0 $0x100000, s0;
	[bflag:$0x2] =	sbarrier.arrive $0xFFFF  }
0x6c: {  	[sflag:s0] =	ssyncadd.tile.s32 @!p0 $0x1;
	_ =	shalt  }
.Lfunc_end2:
_tile_overlayer_lowered:
.L_overlay_start_2:
0x6d: {  	(tag) =	ssettag $0x2  }
0x6e: {  	s0 =	rddreg [dreg:$0x0];
	s2 =	stileid.u32  }
0x6f: {  	s1 =	rddreg [dreg:$0x1];
	p0 =	sne.s32 s2, $0x0  }
0x70: {  	s3 =	rddreg [dreg:$0x2];
	[bflag:$0x3] =	sbarrier.arrive $0xFFFF;
	s2 =	simm.s32 @!p0 $0x1C02  }
0x71: {  	[timem:s3], [sflag:s2] =	dma.local @!p0 [hbm:s0], s1  }
0x72: {  	s0 =	simm.s32 @!p0 $0x2  }
0x73: {  	_ =	swait.ge @!p0 [sflag:s0], s1  }
0x74: {  	s1 =	ssub.s32 @!p0 $0x0, s1;
	[sflag:s0] =	ssyncset.done @!p0 $0x0  }
0x75: {  	[sflag:s0] =	ssyncadd.s32 @!p0 s1  }
0x76: {  	[bflag:$0x3] =	sbarrier.arrive $0xFFFF  }
0x77: {  	_ =	shalt  }

</sc_bundles>
